<compile_context>
chip_gen: v7x
topology: tpu7x:2x2x1
jax: 0.10.2.dev20260603
libtpu: 0.0.44.dev20260713+nightly
codegen_flags: <defaults>
</compile_context>

<pallas_src>
import functools

import jax
import jax.numpy as jnp
from jax import lax
from jax.experimental import pallas as pl
from jax.experimental.pallas import tpu as pltpu
from jax.experimental.pallas import tpu_sc as plsc

_CHUNK = 6400
_NW = 32
_SLICE = 6272
_NPAD = 16 * _SLICE

_DIMS = (((1,), (1,)), ((), ()))
_OUTER = (((0,), (0,)), ((), ()))


def _sc_segment_sum(edge_index, ef_flat):
    n_chunks = ef_flat.shape[0] // _CHUNK
    iters = (n_chunks + _NW - 1) // _NW
    mesh = plsc.VectorSubcoreMesh(core_axis_name="c", subcore_axis_name="s")

    @functools.partial(
        pl.kernel,
        mesh=mesh,
        out_type=(
            jax.ShapeDtypeStruct((_NPAD,), jnp.float32),
            jax.ShapeDtypeStruct((_NPAD,), jnp.float32),
        ),
        scratch_types=[
            pltpu.VMEM((2, _CHUNK), jnp.int32),
            pltpu.VMEM((_CHUNK,), jnp.float32),
            pltpu.VMEM((2, _CHUNK), jnp.int32),
            pltpu.VMEM((_CHUNK,), jnp.float32),
            pltpu.VMEM((_CHUNK,), jnp.int32),
            pltpu.VMEM((_CHUNK,), jnp.int32),
            pltpu.VMEM((_SLICE,), jnp.float32),
            pltpu.VMEM_SHARED((_NPAD,), jnp.float32),
            pltpu.SemaphoreType.DMA,
            pltpu.SemaphoreType.DMA,
        ],
    )
    def seg_sum(dst_hbm, val_hbm, out0_hbm, out1_hbm,
                idx0, val0, idx1, val1, idxf0, idxf1, stage_v, acc_sh,
                sem0, sem1):
        cid = lax.axis_index("c")
        sid = lax.axis_index("s")
        w = sid * 2 + cid
        my_rows = pl.ds(sid * _SLICE, _SLICE)

        def start_loads(chunk, idx_v, val_v, sem):
            pltpu.async_copy(
                dst_hbm.at[:, pl.ds(chunk * _CHUNK, _CHUNK)], idx_v, sem)
            pltpu.async_copy(
                val_hbm.at[pl.ds(chunk * _CHUNK, _CHUNK)], val_v, sem)

        def wait_loads(idx_v, val_v, sem):
            pltpu.make_async_copy(
                dst_hbm.at[:, pl.ds(0, _CHUNK)], idx_v, sem).wait()
            pltpu.make_async_copy(
                val_hbm.at[pl.ds(0, _CHUNK)], val_v, sem).wait()

        def extract_row(idx_v, idxf_v):
            def cp(i, c):
                for j in range(8):
                    o = (i * 8 + j) * 16
                    idxf_v[pl.ds(o, 16)] = idx_v[1, pl.ds(o, 16)]
                return c

            lax.fori_loop(0, _CHUNK // 128, cp, 0)

        def zero_body(i, carry):
            stage_v[pl.ds(i * 16, 16)] = jnp.zeros((16,), jnp.float32)
            return carry

        lax.fori_loop(0, _SLICE // 16, zero_body, 0)
        pltpu.sync_copy(stage_v, acc_sh.at[my_rows])
        plsc.subcore_barrier()

        start_loads(w, idx0, val0, sem0)

        def pair(k2, carry):
            g0 = w + (k2 * 2) * _NW
            g1 = g0 + _NW
            g2 = g1 + _NW

            @pl.when(g1 < n_chunks)
            def _():
                start_loads(g1, idx1, val1, sem1)

            @pl.when(g0 < n_chunks)
            def _():
                wait_loads(idx0, val0, sem0)
                extract_row(idx0, idxf0)
                pltpu.sync_copy(val0, acc_sh.at[idxf0], add=True)

            @pl.when(g2 < n_chunks)
            def _():
                start_loads(g2, idx0, val0, sem0)

            @pl.when(g1 < n_chunks)
            def _():
                wait_loads(idx1, val1, sem1)
                extract_row(idx1, idxf1)
                pltpu.sync_copy(val1, acc_sh.at[idxf1], add=True)

            return carry

        lax.fori_loop(0, (iters + 1) // 2, pair, 0)
        plsc.subcore_barrier()

        pltpu.sync_copy(acc_sh.at[my_rows], stage_v)

        @pl.when(cid == 0)
        def _():
            pltpu.sync_copy(stage_v, out0_hbm.at[my_rows])

        @pl.when(cid == 1)
        def _():
            pltpu.sync_copy(stage_v, out1_hbm.at[my_rows])

    return seg_sum(edge_index, ef_flat)


_P_WR2 = 6 * 128
_P_WL = _P_WR2 + 128
_P_B = _P_WL + 6


def _tc_mlp_body(x_ref, he0_ref, he1_ref, p_ref, wr3_ref, b3c_ref, o_ref):
    d = x_ref.shape[1]
    bn = x_ref.shape[0]
    he = (he0_ref[...] + he1_ref[...]).reshape(bn, 1)
    x = x_ref[...]
    for l in range(6):
        y = jnp.dot(x, p_ref[l * d:(l + 1) * d, :],
                    preferred_element_type=jnp.float32)
        y = y + he * p_ref[_P_WL + l:_P_WL + l + 1, :]
        x = jnp.maximum(y + p_ref[_P_B + l:_P_B + l + 1, :], 0.0)
    x = jnp.maximum(
        jnp.dot(x, p_ref[_P_WR2:_P_WR2 + d, :],
                preferred_element_type=jnp.float32)
        + p_ref[_P_B + 6:_P_B + 7, :], 0.0)
    o_ref[...] = (
        lax.dot_general(wr3_ref[...], x, _DIMS,
                        preferred_element_type=jnp.float32)
        + b3c_ref[...])


def kernel(node_feat, edge_feat, edge_index, W0, b0, W1, b1, W2, b2, W3, b3,
           W4, b4, Wr1, br1, Wr2, br2, Wr3, br3):
    N, D = node_feat.shape
    REG = Wr3.shape[0]

    he0, he1 = _sc_segment_sum(edge_index, edge_feat.reshape(-1))

    sage_w = (W0, W1, W2, W3, W4, Wr1)
    pack = ([jnp.transpose(W[:, :D]) for W in sage_w]
            + [jnp.transpose(Wr2)]
            + [W[:, D].reshape(1, D) for W in sage_w]
            + [b.reshape(1, D) for b in (b0, b1, b2, b3, b4, br1, br2)]
            + [jnp.pad(br3, (0, D - REG)).reshape(1, D)])
    P = jnp.concatenate(pack, axis=0)

    BN = 8192
    grid = (pl.cdiv(N, BN),)
    in_specs = [
        pl.BlockSpec((BN, D), lambda i: (i, 0)),
        pl.BlockSpec((BN,), lambda i: (i,)),
        pl.BlockSpec((BN,), lambda i: (i,)),
        pl.BlockSpec(P.shape, lambda i: (0, 0)),
        pl.BlockSpec((REG, D), lambda i: (0, 0)),
        pl.BlockSpec((REG, 1), lambda i: (0, 0)),
    ]
    out_t = pl.pallas_call(
        _tc_mlp_body,
        grid=grid,
        in_specs=in_specs,
        out_specs=pl.BlockSpec((REG, BN), lambda i: (0, i)),
        out_shape=jax.ShapeDtypeStruct((REG, N), jnp.float32),
        compiler_params=pltpu.CompilerParams(
            dimension_semantics=("arbitrary",)),
    )(node_feat, he0, he1, P, Wr3, br3.reshape(REG, 1))
    return jnp.transpose(out_t)

# --- scband reference (transcript-rebuilt; emitter-appended) ---
"""Pipeline reference for scband-graph-sage-conv-xe-only-76192719831691 (READ-ONLY COPY).

The authoritative reference and input builder live on the scoring server;
editing this copy changes nothing except your own understanding.
"""

import jax, jax.numpy as jnp
import numpy as np

N = 100000
E = 6400000
D = 128
REG = 8

def setup_inputs(seed: int = 0) -> dict:
    key = jax.random.key(seed)
    ks = jax.random.split(key, 24)
    inp = {}
    inp['node_feat'] = jax.random.normal(ks[0], (N, D), dtype=jnp.float32)
    inp['edge_feat'] = jax.random.normal(ks[1], (E, 1), dtype=jnp.float32)
    inp['edge_index'] = jax.random.randint(ks[2], (2, E), 0, N, dtype=jnp.int32)
    s = 1.0 / np.sqrt(D + 1)
    for i in range(5):
        inp['W%d' % i] = jax.random.uniform(ks[3 + i], (D, D + 1), minval=-s, maxval=s, dtype=jnp.float32)
        inp['b%d' % i] = jax.random.uniform(ks[8 + i], (D,), minval=-s, maxval=s, dtype=jnp.float32)
    inp['Wr1'] = jax.random.uniform(ks[13], (D, D + 1), minval=-s, maxval=s, dtype=jnp.float32)
    inp['br1'] = jax.random.uniform(ks[14], (D,), minval=-s, maxval=s, dtype=jnp.float32)
    s2 = 1.0 / np.sqrt(D)
    inp['Wr2'] = jax.random.uniform(ks[15], (D, D), minval=-s2, maxval=s2, dtype=jnp.float32)
    inp['br2'] = jax.random.uniform(ks[16], (D,), minval=-s2, maxval=s2, dtype=jnp.float32)
    inp['Wr3'] = jax.random.uniform(ks[17], (REG, D), minval=-s2, maxval=s2, dtype=jnp.float32)
    inp['br3'] = jax.random.uniform(ks[18], (REG,), minval=-s2, maxval=s2, dtype=jnp.float32)
    return inp


def reference(node_feat, edge_feat, edge_index, W0, b0, W1, b1, W2, b2, W3, b3, W4, b4, Wr1, br1, Wr2, br2, Wr3, br3):
    # copy_e + sum: scatter-add edge features (dim 1) onto destination nodes
    dst = edge_index[1]
    he_aggr = jax.ops.segment_sum(edge_feat, dst, num_segments=N)  # [N, 1]

    def sage(W, b, hn):
        h_total = jnp.concatenate([hn, he_aggr], axis=1)  # [N, D+1]
        return h_total @ W.T + b

    # conv1 + 4 mid convs; Dropout(p=0.1) is identity in eval mode
    h = sage(W0, b0, node_feat)
    h = jax.nn.relu(h)
    h = sage(W1, b1, h)
    h = jax.nn.relu(h)
    h = sage(W2, b2, h)
    h = jax.nn.relu(h)
    h = sage(W3, b3, h)
    h = jax.nn.relu(h)
    h = sage(W4, b4, h)
    h = jax.nn.relu(h)
    # regression branch
    h_total = jnp.concatenate([h, he_aggr], axis=1)
    r = h_total @ Wr1.T + br1
    r = jax.nn.relu(r)
    r = r @ Wr2.T + br2
    r = jax.nn.relu(r)
    r = r @ Wr3.T + br3
    return r

if __name__ == "__main__":
    import jax
    _d = setup_inputs()
    print(jax.jit(kernel)(*tuple(_d.values())))

</pallas_src>

<mosaic_0001>
#map = affine_map<(d0, d1) -> (0, 0)>
#map1 = affine_map<(d0, d1) -> (0)>
module attributes {stable_mosaic.version = 14 : i64} {
  func.func @seg_sum(%arg0: i32, %arg1: i32, %arg2: memref<2x6400000xi32, #tpu.memory_space<hbm>>, %arg3: memref<6400000xf32, #tpu.memory_space<hbm>>, %arg4: memref<100352xf32, #tpu.memory_space<hbm>>, %arg5: memref<100352xf32, #tpu.memory_space<hbm>>, %arg6: memref<2x6400xi32, #tpu.memory_space<vmem>>, %arg7: memref<6400xf32, #tpu.memory_space<vmem>>, %arg8: memref<2x6400xi32, #tpu.memory_space<vmem>>, %arg9: memref<6400xf32, #tpu.memory_space<vmem>>, %arg10: memref<6400xi32, #tpu.memory_space<vmem>>, %arg11: memref<6400xi32, #tpu.memory_space<vmem>>, %arg12: memref<6272xf32, #tpu.memory_space<vmem>>, %arg13: memref<100352xf32, #tpu.memory_space<vmem_shared>>, %arg14: memref<!tpu.dma_semaphore, #tpu.memory_space<semaphore_mem>>, %arg15: memref<!tpu.dma_semaphore, #tpu.memory_space<semaphore_mem>>) attributes {dimension_semantics = [#tpu.dimension_semantics<core_parallel>, #tpu.dimension_semantics<subcore_parallel>], iteration_bounds = array<i64: 2, 16>, scalar_prefetch = 0 : i64, scratch_operands = 10 : i64, tpu.core_type = #tpu.core_type<sc_vector_subcore>, window_params = [{transform_indices = #map}, {transform_indices = #map1}, {transform_indices = #map1}, {transform_indices = #map1}]} {
    %mul3A = arith.constant 2 : i32
    %mul3A_0 = arith.muli %arg1, %mul3A : i32
    %add3A = arith.addi %mul3A_0, %arg0 : i32
    %mul3A_1 = arith.constant 6272 : i32
    %mul3A_2 = arith.muli %arg1, %mul3A_1 : i32
    %scan3A = arith.constant 0 : i32
    %scan3A_3 = arith.constant 0 : i32
    %scan3A_4 = arith.constant 392 : i32
    %scan3A_5 = arith.addi %scan3A_3, %scan3A_4 : i32
    %scan3A_6 = arith.constant 1 : i32
    scf.for %scan3A_31 = %scan3A_3 to %scan3A_5 step %scan3A_6  : i32 {
      %broadcast_in_dim3A = arith.constant 0.000000e+00 : f32
      %broadcast_in_dim3A_32 = vector.broadcast %broadcast_in_dim3A : f32 to vector<16xf32>
      %mul3A_33 = arith.constant 16 : i32
      %mul3A_34 = arith.muli %scan3A_31, %mul3A_33 : i32
      %swap3A = arith.index_cast %mul3A_34 : i32 to index
      %swap3A_35 = tpu.vector_load %arg12[%swap3A] {strides = array<i32>} : memref<6272xf32, #tpu.memory_space<vmem>>, vector<16xf32>,
      %swap3A_36 = vector.shape_cast %swap3A_35 : vector<16xf32> to vector<16xf32>
      %swap3A_37 = vector.shape_cast %broadcast_in_dim3A_32 : vector<16xf32> to vector<16xf32>
      tpu.vector_store %arg12[%swap3A], %swap3A_37 {strides = array<i32>} : memref<6272xf32, #tpu.memory_space<vmem>>, vector<16xf32>,
    }
    %scan3A_7 = arith.constant 392 : i32
    "tpu.region"() ({
      %run_scoped3A = tpu.sem_alloc : memref<!tpu.dma_semaphore, #tpu.memory_space<semaphore_mem>>
      %dma_start3A_31 = tpu.memref_slice %arg13[%mul3A_2] : memref<100352xf32, #tpu.memory_space<vmem_shared>> -> memref<6272xf32, #tpu.memory_space<vmem_shared>>
      %dma_start3A_32 = tpu.memref_slice %arg13[%mul3A_2] : memref<100352xf32, #tpu.memory_space<vmem_shared>> -> memref<6272xf32, #tpu.memory_space<vmem_shared>>
      tpu.enqueue_dma source(%arg12 : memref<6272xf32, #tpu.memory_space<vmem>>) target(%dma_start3A_32 : memref<6272xf32, #tpu.memory_space<vmem_shared>>) target_semaphore(%run_scoped3A : memref<!tpu.dma_semaphore, #tpu.memory_space<semaphore_mem>>)
      %dma_wait3A = tpu.memref_slice %arg13[%mul3A_2] : memref<100352xf32, #tpu.memory_space<vmem_shared>> -> memref<6272xf32, #tpu.memory_space<vmem_shared>>
      %dma_wait3A_33 = tpu.memref_slice %arg13[%mul3A_2] : memref<100352xf32, #tpu.memory_space<vmem_shared>> -> memref<6272xf32, #tpu.memory_space<vmem_shared>>
      tpu.wait_dma2 semaphore(%run_scoped3A : memref<!tpu.dma_semaphore, #tpu.memory_space<semaphore_mem>>) src(%arg12 : memref<6272xf32, #tpu.memory_space<vmem>>) dst(%dma_wait3A_33 : memref<6272xf32, #tpu.memory_space<vmem_shared>>)
      tpu.yield
    }) : () -> ()
    %barrier3A = arith.constant 0 : index
    tpu.barrier barrier_id(%barrier3A)
    %mul3A_8 = arith.constant 6400 : i32
    %mul3A_9 = arith.muli %add3A, %mul3A_8 : i32
    %dma_start3A = arith.constant 0 : i32
    %dma_start3A_10 = tpu.memref_slice %arg2[%dma_start3A, %mul3A_9] : memref<2x6400000xi32, #tpu.memory_space<hbm>> -> memref<2x6400xi32, #tpu.memory_space<hbm>>
    %dma_start3A_11 = arith.constant 0 : i32
    %dma_start3A_12 = tpu.memref_slice %arg2[%dma_start3A_11, %mul3A_9] : memref<2x6400000xi32, #tpu.memory_space<hbm>> -> memref<2x6400xi32, #tpu.memory_space<hbm>>
    tpu.enqueue_dma source(%dma_start3A_12 : memref<2x6400xi32, #tpu.memory_space<hbm>>) target(%arg6 : memref<2x6400xi32, #tpu.memory_space<vmem>>) target_semaphore(%arg14 : memref<!tpu.dma_semaphore, #tpu.memory_space<semaphore_mem>>)
    %mul3A_13 = arith.constant 6400 : i32
    %mul3A_14 = arith.muli %add3A, %mul3A_13 : i32
    %dma_start3A_15 = tpu.memref_slice %arg3[%mul3A_14] : memref<6400000xf32, #tpu.memory_space<hbm>> -> memref<6400xf32, #tpu.memory_space<hbm>>
    %dma_start3A_16 = tpu.memref_slice %arg3[%mul3A_14] : memref<6400000xf32, #tpu.memory_space<hbm>> -> memref<6400xf32, #tpu.memory_space<hbm>>
    tpu.enqueue_dma source(%dma_start3A_16 : memref<6400xf32, #tpu.memory_space<hbm>>) target(%arg7 : memref<6400xf32, #tpu.memory_space<vmem>>) target_semaphore(%arg14 : memref<!tpu.dma_semaphore, #tpu.memory_space<semaphore_mem>>)
    %scan3A_17 = arith.constant 0 : i32
    %scan3A_18 = arith.constant 0 : i32
    %scan3A_19 = arith.constant 16 : i32
    %scan3A_20 = arith.addi %scan3A_18, %scan3A_19 : i32
    %scan3A_21 = arith.constant 1 : i32
    scf.for %scan3A_31 = %scan3A_18 to %scan3A_20 step %scan3A_21  : i32 {
      %mul3A_32 = arith.constant 2 : i32
      %mul3A_33 = arith.muli %scan3A_31, %mul3A_32 : i32
      %mul3A_34 = arith.constant 32 : i32
      %mul3A_35 = arith.muli %mul3A_33, %mul3A_34 : i32
      %add3A_36 = arith.addi %add3A, %mul3A_35 : i32
      %add3A_37 = arith.constant 32 : i32
      %add3A_38 = arith.addi %add3A_36, %add3A_37 : i32
      %add3A_39 = arith.constant 32 : i32
      %add3A_40 = arith.addi %add3A_38, %add3A_39 : i32
      %lt3A = arith.constant 1000 : i32
      %lt3A_41 = arith.cmpi slt, %add3A_38, %lt3A : i32
      %convert_element_type3A_42 = arith.extui %lt3A_41 : i1 to i32
      %cond3A_43 = arith.constant 0 : i32
      %cond3A_44 = arith.cmpi ne, %convert_element_type3A_42, %cond3A_43 : i32
      scf.if %cond3A_44 {
        %mul3A_60 = arith.constant 6400 : i32
        %mul3A_61 = arith.muli %add3A_38, %mul3A_60 : i32
        %dma_start3A_62 = arith.constant 0 : i32
        %dma_start3A_63 = tpu.memref_slice %arg2[%dma_start3A_62, %mul3A_61] : memref<2x6400000xi32, #tpu.memory_space<hbm>> -> memref<2x6400xi32, #tpu.memory_space<hbm>>
        %dma_start3A_64 = arith.constant 0 : i32
        %dma_start3A_65 = tpu.memref_slice %arg2[%dma_start3A_64, %mul3A_61] : memref<2x6400000xi32, #tpu.memory_space<hbm>> -> memref<2x6400xi32, #tpu.memory_space<hbm>>
        tpu.enqueue_dma source(%dma_start3A_65 : memref<2x6400xi32, #tpu.memory_space<hbm>>) target(%arg8 : memref<2x6400xi32, #tpu.memory_space<vmem>>) target_semaphore(%arg15 : memref<!tpu.dma_semaphore, #tpu.memory_space<semaphore_mem>>)
        %mul3A_66 = arith.constant 6400 : i32
        %mul3A_67 = arith.muli %add3A_38, %mul3A_66 : i32
        %dma_start3A_68 = tpu.memref_slice %arg3[%mul3A_67] : memref<6400000xf32, #tpu.memory_space<hbm>> -> memref<6400xf32, #tpu.memory_space<hbm>>
        %dma_start3A_69 = tpu.memref_slice %arg3[%mul3A_67] : memref<6400000xf32, #tpu.memory_space<hbm>> -> memref<6400xf32, #tpu.memory_space<hbm>>
        tpu.enqueue_dma source(%dma_start3A_69 : memref<6400xf32, #tpu.memory_space<hbm>>) target(%arg9 : memref<6400xf32, #tpu.memory_space<vmem>>) target_semaphore(%arg15 : memref<!tpu.dma_semaphore, #tpu.memory_space<semaphore_mem>>)
      } else {
      }
      %lt3A_45 = arith.constant 1000 : i32
      %lt3A_46 = arith.cmpi slt, %add3A_36, %lt3A_45 : i32
      %convert_element_type3A_47 = arith.extui %lt3A_46 : i1 to i32
      %cond3A_48 = arith.constant 0 : i32
      %cond3A_49 = arith.cmpi ne, %convert_element_type3A_47, %cond3A_48 : i32
      scf.if %cond3A_49 {
        %dma_wait3A = arith.constant 0 : i32
        %dma_wait3A_60 = arith.constant 0 : i32
        %dma_wait3A_61 = tpu.memref_slice %arg2[%dma_wait3A, %dma_wait3A_60] : memref<2x6400000xi32, #tpu.memory_space<hbm>> -> memref<2x6400xi32, #tpu.memory_space<hbm>>
        %dma_wait3A_62 = arith.constant 0 : i32
        %dma_wait3A_63 = arith.constant 0 : i32
        %dma_wait3A_64 = tpu.memref_slice %arg2[%dma_wait3A_62, %dma_wait3A_63] : memref<2x6400000xi32, #tpu.memory_space<hbm>> -> memref<2x6400xi32, #tpu.memory_space<hbm>>
        tpu.wait_dma2 semaphore(%arg14 : memref<!tpu.dma_semaphore, #tpu.memory_space<semaphore_mem>>) src(%dma_wait3A_64 : memref<2x6400xi32, #tpu.memory_space<hbm>>) dst(%arg6 : memref<2x6400xi32, #tpu.memory_space<vmem>>)
        %dma_wait3A_65 = arith.constant 0 : i32
        %dma_wait3A_66 = tpu.memref_slice %arg3[%dma_wait3A_65] : memref<6400000xf32, #tpu.memory_space<hbm>> -> memref<6400xf32, #tpu.memory_space<hbm>>
        %dma_wait3A_67 = arith.constant 0 : i32
        %dma_wait3A_68 = tpu.memref_slice %arg3[%dma_wait3A_67] : memref<6400000xf32, #tpu.memory_space<hbm>> -> memref<6400xf32, #tpu.memory_space<hbm>>
        tpu.wait_dma2 semaphore(%arg14 : memref<!tpu.dma_semaphore, #tpu.memory_space<semaphore_mem>>) src(%dma_wait3A_68 : memref<6400xf32, #tpu.memory_space<hbm>>) dst(%arg7 : memref<6400xf32, #tpu.memory_space<vmem>>)
        %scan3A_69 = arith.constant 0 : i32
        %scan3A_70 = arith.constant 0 : i32
        %scan3A_71 = arith.constant 50 : i32
        %scan3A_72 = arith.addi %scan3A_70, %scan3A_71 : i32
        %scan3A_73 = arith.constant 1 : i32
        scf.for %scan3A_75 = %scan3A_70 to %scan3A_72 step %scan3A_73  : i32 {
          %mul3A_76 = arith.constant 8 : i32
          %mul3A_77 = arith.muli %scan3A_75, %mul3A_76 : i32
          %add3A_78 = arith.constant 0 : i32
          %add3A_79 = arith.addi %mul3A_77, %add3A_78 : i32
          %mul3A_80 = arith.constant 16 : i32
          %mul3A_81 = arith.muli %add3A_79, %mul3A_80 : i32
          %get3A = arith.constant 1 : i32
          %get3A_82 = arith.index_cast %get3A : i32 to index
          %get3A_83 = arith.index_cast %mul3A_81 : i32 to index
          %get3A_84 = tpu.vector_load %arg6[%get3A_82, %get3A_83] {strides = array<i32>} : memref<2x6400xi32, #tpu.memory_space<vmem>>, vector<1x16xi32>,
          %get3A_85 = vector.shape_cast %get3A_84 : vector<1x16xi32> to vector<16xi32>
          %swap3A = arith.index_cast %mul3A_81 : i32 to index
          %swap3A_86 = tpu.vector_load %arg10[%swap3A] {strides = array<i32>} : memref<6400xi32, #tpu.memory_space<vmem>>, vector<16xi32>,
          %swap3A_87 = vector.shape_cast %swap3A_86 : vector<16xi32> to vector<16xi32>
          %swap3A_88 = vector.shape_cast %get3A_85 : vector<16xi32> to vector<16xi32>
          tpu.vector_store %arg10[%swap3A], %swap3A_88 {strides = array<i32>} : memref<6400xi32, #tpu.memory_space<vmem>>, vector<16xi32>,
          %mul3A_89 = arith.constant 8 : i32
          %mul3A_90 = arith.muli %scan3A_75, %mul3A_89 : i32
          %add3A_91 = arith.constant 1 : i32
          %add3A_92 = arith.addi %mul3A_90, %add3A_91 : i32
          %mul3A_93 = arith.constant 16 : i32
          %mul3A_94 = arith.muli %add3A_92, %mul3A_93 : i32
          %get3A_95 = arith.constant 1 : i32
          %get3A_96 = arith.index_cast %get3A_95 : i32 to index
          %get3A_97 = arith.index_cast %mul3A_94 : i32 to index
          %get3A_98 = tpu.vector_load %arg6[%get3A_96, %get3A_97] {strides = array<i32>} : memref<2x6400xi32, #tpu.memory_space<vmem>>, vector<1x16xi32>,
          %get3A_99 = vector.shape_cast %get3A_98 : vector<1x16xi32> to vector<16xi32>
          %swap3A_100 = arith.index_cast %mul3A_94 : i32 to index
          %swap3A_101 = tpu.vector_load %arg10[%swap3A_100] {strides = array<i32>} : memref<6400xi32, #tpu.memory_space<vmem>>, vector<16xi32>,
          %swap3A_102 = vector.shape_cast %swap3A_101 : vector<16xi32> to vector<16xi32>
          %swap3A_103 = vector.shape_cast %get3A_99 : vector<16xi32> to vector<16xi32>
          tpu.vector_store %arg10[%swap3A_100], %swap3A_103 {strides = array<i32>} : memref<6400xi32, #tpu.memory_space<vmem>>, vector<16xi32>,
          %mul3A_104 = arith.constant 8 : i32
          %mul3A_105 = arith.muli %scan3A_75, %mul3A_104 : i32
          %add3A_106 = arith.constant 2 : i32
          %add3A_107 = arith.addi %mul3A_105, %add3A_106 : i32
          %mul3A_108 = arith.constant 16 : i32
          %mul3A_109 = arith.muli %add3A_107, %mul3A_108 : i32
          %get3A_110 = arith.constant 1 : i32
          %get3A_111 = arith.index_cast %get3A_110 : i32 to index
          %get3A_112 = arith.index_cast %mul3A_109 : i32 to index
          %get3A_113 = tpu.vector_load %arg6[%get3A_111, %get3A_112] {strides = array<i32>} : memref<2x6400xi32, #tpu.memory_space<vmem>>, vector<1x16xi32>,
          %get3A_114 = vector.shape_cast %get3A_113 : vector<1x16xi32> to vector<16xi32>
          %swap3A_115 = arith.index_cast %mul3A_109 : i32 to index
          %swap3A_116 = tpu.vector_load %arg10[%swap3A_115] {strides = array<i32>} : memref<6400xi32, #tpu.memory_space<vmem>>, vector<16xi32>,
          %swap3A_117 = vector.shape_cast %swap3A_116 : vector<16xi32> to vector<16xi32>
          %swap3A_118 = vector.shape_cast %get3A_114 : vector<16xi32> to vector<16xi32>
          tpu.vector_store %arg10[%swap3A_115], %swap3A_118 {strides = array<i32>} : memref<6400xi32, #tpu.memory_space<vmem>>, vector<16xi32>,
          %mul3A_119 = arith.constant 8 : i32
          %mul3A_120 = arith.muli %scan3A_75, %mul3A_119 : i32
          %add3A_121 = arith.constant 3 : i32
          %add3A_122 = arith.addi %mul3A_120, %add3A_121 : i32
          %mul3A_123 = arith.constant 16 : i32
          %mul3A_124 = arith.muli %add3A_122, %mul3A_123 : i32
          %get3A_125 = arith.constant 1 : i32
          %get3A_126 = arith.index_cast %get3A_125 : i32 to index
          %get3A_127 = arith.index_cast %mul3A_124 : i32 to index
          %get3A_128 = tpu.vector_load %arg6[%get3A_126, %get3A_127] {strides = array<i32>} : memref<2x6400xi32, #tpu.memory_space<vmem>>, vector<1x16xi32>,
          %get3A_129 = vector.shape_cast %get3A_128 : vector<1x16xi32> to vector<16xi32>
          %swap3A_130 = arith.index_cast %mul3A_124 : i32 to index
          %swap3A_131 = tpu.vector_load %arg10[%swap3A_130] {strides = array<i32>} : memref<6400xi32, #tpu.memory_space<vmem>>, vector<16xi32>,
          %swap3A_132 = vector.shape_cast %swap3A_131 : vector<16xi32> to vector<16xi32>
          %swap3A_133 = vector.shape_cast %get3A_129 : vector<16xi32> to vector<16xi32>
          tpu.vector_store %arg10[%swap3A_130], %swap3A_133 {strides = array<i32>} : memref<6400xi32, #tpu.memory_space<vmem>>, vector<16xi32>,
          %mul3A_134 = arith.constant 8 : i32
          %mul3A_135 = arith.muli %scan3A_75, %mul3A_134 : i32
          %add3A_136 = arith.constant 4 : i32
          %add3A_137 = arith.addi %mul3A_135, %add3A_136 : i32
          %mul3A_138 = arith.constant 16 : i32
          %mul3A_139 = arith.muli %add3A_137, %mul3A_138 : i32
          %get3A_140 = arith.constant 1 : i32
          %get3A_141 = arith.index_cast %get3A_140 : i32 to index
          %get3A_142 = arith.index_cast %mul3A_139 : i32 to index
          %get3A_143 = tpu.vector_load %arg6[%get3A_141, %get3A_142] {strides = array<i32>} : memref<2x6400xi32, #tpu.memory_space<vmem>>, vector<1x16xi32>,
          %get3A_144 = vector.shape_cast %get3A_143 : vector<1x16xi32> to vector<16xi32>
          %swap3A_145 = arith.index_cast %mul3A_139 : i32 to index
          %swap3A_146 = tpu.vector_load %arg10[%swap3A_145] {strides = array<i32>} : memref<6400xi32, #tpu.memory_space<vmem>>, vector<16xi32>,
          %swap3A_147 = vector.shape_cast %swap3A_146 : vector<16xi32> to vector<16xi32>
          %swap3A_148 = vector.shape_cast %get3A_144 : vector<16xi32> to vector<16xi32>
          tpu.vector_store %arg10[%swap3A_145], %swap3A_148 {strides = array<i32>} : memref<6400xi32, #tpu.memory_space<vmem>>, vector<16xi32>,
          %mul3A_149 = arith.constant 8 : i32
          %mul3A_150 = arith.muli %scan3A_75, %mul3A_149 : i32
          %add3A_151 = arith.constant 5 : i32
          %add3A_152 = arith.addi %mul3A_150, %add3A_151 : i32
          %mul3A_153 = arith.constant 16 : i32
          %mul3A_154 = arith.muli %add3A_152, %mul3A_153 : i32
          %get3A_155 = arith.constant 1 : i32
          %get3A_156 = arith.index_cast %get3A_155 : i32 to index
          %get3A_157 = arith.index_cast %mul3A_154 : i32 to index
          %get3A_158 = tpu.vector_load %arg6[%get3A_156, %get3A_157] {strides = array<i32>} : memref<2x6400xi32, #tpu.memory_space<vmem>>, vector<1x16xi32>,
          %get3A_159 = vector.shape_cast %get3A_158 : vector<1x16xi32> to vector<16xi32>
          %swap3A_160 = arith.index_cast %mul3A_154 : i32 to index
          %swap3A_161 = tpu.vector_load %arg10[%swap3A_160] {strides = array<i32>} : memref<6400xi32, #tpu.memory_space<vmem>>, vector<16xi32>,
          %swap3A_162 = vector.shape_cast %swap3A_161 : vector<16xi32> to vector<16xi32>
          %swap3A_163 = vector.shape_cast %get3A_159 : vector<16xi32> to vector<16xi32>
          tpu.vector_store %arg10[%swap3A_160], %swap3A_163 {strides = array<i32>} : memref<6400xi32, #tpu.memory_space<vmem>>, vector<16xi32>,
          %mul3A_164 = arith.constant 8 : i32
          %mul3A_165 = arith.muli %scan3A_75, %mul3A_164 : i32
          %add3A_166 = arith.constant 6 : i32
          %add3A_167 = arith.addi %mul3A_165, %add3A_166 : i32
          %mul3A_168 = arith.constant 16 : i32
          %mul3A_169 = arith.muli %add3A_167, %mul3A_168 : i32
          %get3A_170 = arith.constant 1 : i32
          %get3A_171 = arith.index_cast %get3A_170 : i32 to index
          %get3A_172 = arith.index_cast %mul3A_169 : i32 to index
          %get3A_173 = tpu.vector_load %arg6[%get3A_171, %get3A_172] {strides = array<i32>} : memref<2x6400xi32, #tpu.memory_space<vmem>>, vector<1x16xi32>,
          %get3A_174 = vector.shape_cast %get3A_173 : vector<1x16xi32> to vector<16xi32>
          %swap3A_175 = arith.index_cast %mul3A_169 : i32 to index
          %swap3A_176 = tpu.vector_load %arg10[%swap3A_175] {strides = array<i32>} : memref<6400xi32, #tpu.memory_space<vmem>>, vector<16xi32>,
          %swap3A_177 = vector.shape_cast %swap3A_176 : vector<16xi32> to vector<16xi32>
          %swap3A_178 = vector.shape_cast %get3A_174 : vector<16xi32> to vector<16xi32>
          tpu.vector_store %arg10[%swap3A_175], %swap3A_178 {strides = array<i32>} : memref<6400xi32, #tpu.memory_space<vmem>>, vector<16xi32>,
          %mul3A_179 = arith.constant 8 : i32
          %mul3A_180 = arith.muli %scan3A_75, %mul3A_179 : i32
          %add3A_181 = arith.constant 7 : i32
          %add3A_182 = arith.addi %mul3A_180, %add3A_181 : i32
          %mul3A_183 = arith.constant 16 : i32
          %mul3A_184 = arith.muli %add3A_182, %mul3A_183 : i32
          %get3A_185 = arith.constant 1 : i32
          %get3A_186 = arith.index_cast %get3A_185 : i32 to index
          %get3A_187 = arith.index_cast %mul3A_184 : i32 to index
          %get3A_188 = tpu.vector_load %arg6[%get3A_186, %get3A_187] {strides = array<i32>} : memref<2x6400xi32, #tpu.memory_space<vmem>>, vector<1x16xi32>,
          %get3A_189 = vector.shape_cast %get3A_188 : vector<1x16xi32> to vector<16xi32>
          %swap3A_190 = arith.index_cast %mul3A_184 : i32 to index
          %swap3A_191 = tpu.vector_load %arg10[%swap3A_190] {strides = array<i32>} : memref<6400xi32, #tpu.memory_space<vmem>>, vector<16xi32>,
          %swap3A_192 = vector.shape_cast %swap3A_191 : vector<16xi32> to vector<16xi32>
          %swap3A_193 = vector.shape_cast %get3A_189 : vector<16xi32> to vector<16xi32>
          tpu.vector_store %arg10[%swap3A_190], %swap3A_193 {strides = array<i32>} : memref<6400xi32, #tpu.memory_space<vmem>>, vector<16xi32>,
        }
        %scan3A_74 = arith.constant 50 : i32
        "tpu.region"() ({
          %run_scoped3A = tpu.sem_alloc : memref<!tpu.dma_semaphore, #tpu.memory_space<semaphore_mem>>
          %dma_start3A_75 = arith.constant 0 : i32
          %dma_start3A_76 = tpu.memref_slice %arg13[%dma_start3A_75] : memref<100352xf32, #tpu.memory_space<vmem_shared>> -> memref<100352xf32, #tpu.memory_space<vmem_shared>>
          tpu.enqueue_indirect_dma source(%arg7 : memref<6400xf32, #tpu.memory_space<vmem>>) target(%dma_start3A_76 : memref<100352xf32, #tpu.memory_space<vmem_shared>>) offsets(%arg10 : memref<6400xi32, #tpu.memory_space<vmem>>) semaphore(%run_scoped3A : memref<!tpu.dma_semaphore, #tpu.memory_space<semaphore_mem>>) {add = true}
          %dma_wait3A_77 = arith.constant 0 : i32
          %dma_wait3A_78 = tpu.memref_slice %arg13[%dma_wait3A_77] : memref<100352xf32, #tpu.memory_space<vmem_shared>> -> memref<100352xf32, #tpu.memory_space<vmem_shared>>
          tpu.wait_indirect_dma semaphore(%run_scoped3A : memref<!tpu.dma_semaphore, #tpu.memory_space<semaphore_mem>>) src(%arg7 : memref<6400xf32, #tpu.memory_space<vmem>>) dst(%dma_wait3A_78 : memref<100352xf32, #tpu.memory_space<vmem_shared>>)
          tpu.yield
        }) : () -> ()
      } else {
      }
      %lt3A_50 = arith.constant 1000 : i32
      %lt3A_51 = arith.cmpi slt, %add3A_40, %lt3A_50 : i32
      %convert_element_type3A_52 = arith.extui %lt3A_51 : i1 to i32
      %cond3A_53 = arith.constant 0 : i32
      %cond3A_54 = arith.cmpi ne, %convert_element_type3A_52, %cond3A_53 : i32
      scf.if %cond3A_54 {
        %mul3A_60 = arith.constant 6400 : i32
        %mul3A_61 = arith.muli %add3A_40, %mul3A_60 : i32
        %dma_start3A_62 = arith.constant 0 : i32
        %dma_start3A_63 = tpu.memref_slice %arg2[%dma_start3A_62, %mul3A_61] : memref<2x6400000xi32, #tpu.memory_space<hbm>> -> memref<2x6400xi32, #tpu.memory_space<hbm>>
        %dma_start3A_64 = arith.constant 0 : i32
        %dma_start3A_65 = tpu.memref_slice %arg2[%dma_start3A_64, %mul3A_61] : memref<2x6400000xi32, #tpu.memory_space<hbm>> -> memref<2x6400xi32, #tpu.memory_space<hbm>>
        tpu.enqueue_dma source(%dma_start3A_65 : memref<2x6400xi32, #tpu.memory_space<hbm>>) target(%arg6 : memref<2x6400xi32, #tpu.memory_space<vmem>>) target_semaphore(%arg14 : memref<!tpu.dma_semaphore, #tpu.memory_space<semaphore_mem>>)
        %mul3A_66 = arith.constant 6400 : i32
        %mul3A_67 = arith.muli %add3A_40, %mul3A_66 : i32
        %dma_start3A_68 = tpu.memref_slice %arg3[%mul3A_67] : memref<6400000xf32, #tpu.memory_space<hbm>> -> memref<6400xf32, #tpu.memory_space<hbm>>
        %dma_start3A_69 = tpu.memref_slice %arg3[%mul3A_67] : memref<6400000xf32, #tpu.memory_space<hbm>> -> memref<6400xf32, #tpu.memory_space<hbm>>
        tpu.enqueue_dma source(%dma_start3A_69 : memref<6400xf32, #tpu.memory_space<hbm>>) target(%arg7 : memref<6400xf32, #tpu.memory_space<vmem>>) target_semaphore(%arg14 : memref<!tpu.dma_semaphore, #tpu.memory_space<semaphore_mem>>)
      } else {
      }
      %lt3A_55 = arith.constant 1000 : i32
      %lt3A_56 = arith.cmpi slt, %add3A_38, %lt3A_55 : i32
      %convert_element_type3A_57 = arith.extui %lt3A_56 : i1 to i32
      %cond3A_58 = arith.constant 0 : i32
      %cond3A_59 = arith.cmpi ne, %convert_element_type3A_57, %cond3A_58 : i32
      scf.if %cond3A_59 {
        %dma_wait3A = arith.constant 0 : i32
        %dma_wait3A_60 = arith.constant 0 : i32
        %dma_wait3A_61 = tpu.memref_slice %arg2[%dma_wait3A, %dma_wait3A_60] : memref<2x6400000xi32, #tpu.memory_space<hbm>> -> memref<2x6400xi32, #tpu.memory_space<hbm>>
        %dma_wait3A_62 = arith.constant 0 : i32
        %dma_wait3A_63 = arith.constant 0 : i32
        %dma_wait3A_64 = tpu.memref_slice %arg2[%dma_wait3A_62, %dma_wait3A_63] : memref<2x6400000xi32, #tpu.memory_space<hbm>> -> memref<2x6400xi32, #tpu.memory_space<hbm>>
        tpu.wait_dma2 semaphore(%arg15 : memref<!tpu.dma_semaphore, #tpu.memory_space<semaphore_mem>>) src(%dma_wait3A_64 : memref<2x6400xi32, #tpu.memory_space<hbm>>) dst(%arg8 : memref<2x6400xi32, #tpu.memory_space<vmem>>)
        %dma_wait3A_65 = arith.constant 0 : i32
        %dma_wait3A_66 = tpu.memref_slice %arg3[%dma_wait3A_65] : memref<6400000xf32, #tpu.memory_space<hbm>> -> memref<6400xf32, #tpu.memory_space<hbm>>
        %dma_wait3A_67 = arith.constant 0 : i32
        %dma_wait3A_68 = tpu.memref_slice %arg3[%dma_wait3A_67] : memref<6400000xf32, #tpu.memory_space<hbm>> -> memref<6400xf32, #tpu.memory_space<hbm>>
        tpu.wait_dma2 semaphore(%arg15 : memref<!tpu.dma_semaphore, #tpu.memory_space<semaphore_mem>>) src(%dma_wait3A_68 : memref<6400xf32, #tpu.memory_space<hbm>>) dst(%arg9 : memref<6400xf32, #tpu.memory_space<vmem>>)
        %scan3A_69 = arith.constant 0 : i32
        %scan3A_70 = arith.constant 0 : i32
        %scan3A_71 = arith.constant 50 : i32
        %scan3A_72 = arith.addi %scan3A_70, %scan3A_71 : i32
        %scan3A_73 = arith.constant 1 : i32
        scf.for %scan3A_75 = %scan3A_70 to %scan3A_72 step %scan3A_73  : i32 {
          %mul3A_76 = arith.constant 8 : i32
          %mul3A_77 = arith.muli %scan3A_75, %mul3A_76 : i32
          %add3A_78 = arith.constant 0 : i32
          %add3A_79 = arith.addi %mul3A_77, %add3A_78 : i32
          %mul3A_80 = arith.constant 16 : i32
          %mul3A_81 = arith.muli %add3A_79, %mul3A_80 : i32
          %get3A = arith.constant 1 : i32
          %get3A_82 = arith.index_cast %get3A : i32 to index
          %get3A_83 = arith.index_cast %mul3A_81 : i32 to index
          %get3A_84 = tpu.vector_load %arg8[%get3A_82, %get3A_83] {strides = array<i32>} : memref<2x6400xi32, #tpu.memory_space<vmem>>, vector<1x16xi32>,
          %get3A_85 = vector.shape_cast %get3A_84 : vector<1x16xi32> to vector<16xi32>
          %swap3A = arith.index_cast %mul3A_81 : i32 to index
          %swap3A_86 = tpu.vector_load %arg11[%swap3A] {strides = array<i32>} : memref<6400xi32, #tpu.memory_space<vmem>>, vector<16xi32>,
          %swap3A_87 = vector.shape_cast %swap3A_86 : vector<16xi32> to vector<16xi32>
          %swap3A_88 = vector.shape_cast %get3A_85 : vector<16xi32> to vector<16xi32>
          tpu.vector_store %arg11[%swap3A], %swap3A_88 {strides = array<i32>} : memref<6400xi32, #tpu.memory_space<vmem>>, vector<16xi32>,
          %mul3A_89 = arith.constant 8 : i32
          %mul3A_90 = arith.muli %scan3A_75, %mul3A_89 : i32
          %add3A_91 = arith.constant 1 : i32
          %add3A_92 = arith.addi %mul3A_90, %add3A_91 : i32
          %mul3A_93 = arith.constant 16 : i32
          %mul3A_94 = arith.muli %add3A_92, %mul3A_93 : i32
          %get3A_95 = arith.constant 1 : i32
          %get3A_96 = arith.index_cast %get3A_95 : i32 to index
          %get3A_97 = arith.index_cast %mul3A_94 : i32 to index
          %get3A_98 = tpu.vector_load %arg8[%get3A_96, %get3A_97] {strides = array<i32>} : memref<2x6400xi32, #tpu.memory_space<vmem>>, vector<1x16xi32>,
          %get3A_99 = vector.shape_cast %get3A_98 : vector<1x16xi32> to vector<16xi32>
          %swap3A_100 = arith.index_cast %mul3A_94 : i32 to index
          %swap3A_101 = tpu.vector_load %arg11[%swap3A_100] {strides = array<i32>} : memref<6400xi32, #tpu.memory_space<vmem>>, vector<16xi32>,
          %swap3A_102 = vector.shape_cast %swap3A_101 : vector<16xi32> to vector<16xi32>
          %swap3A_103 = vector.shape_cast %get3A_99 : vector<16xi32> to vector<16xi32>
          tpu.vector_store %arg11[%swap3A_100], %swap3A_103 {strides = array<i32>} : memref<6400xi32, #tpu.memory_space<vmem>>, vector<16xi32>,
          %mul3A_104 = arith.constant 8 : i32
          %mul3A_105 = arith.muli %scan3A_75, %mul3A_104 : i32
          %add3A_106 = arith.constant 2 : i32
          %add3A_107 = arith.addi %mul3A_105, %add3A_106 : i32
          %mul3A_108 = arith.constant 16 : i32
          %mul3A_109 = arith.muli %add3A_107, %mul3A_108 : i32
          %get3A_110 = arith.constant 1 : i32
          %get3A_111 = arith.index_cast %get3A_110 : i32 to index
          %get3A_112 = arith.index_cast %mul3A_109 : i32 to index
          %get3A_113 = tpu.vector_load %arg8[%get3A_111, %get3A_112] {strides = array<i32>} : memref<2x6400xi32, #tpu.memory_space<vmem>>, vector<1x16xi32>,
          %get3A_114 = vector.shape_cast %get3A_113 : vector<1x16xi32> to vector<16xi32>
          %swap3A_115 = arith.index_cast %mul3A_109 : i32 to index
          %swap3A_116 = tpu.vector_load %arg11[%swap3A_115] {strides = array<i32>} : memref<6400xi32, #tpu.memory_space<vmem>>, vector<16xi32>,
          %swap3A_117 = vector.shape_cast %swap3A_116 : vector<16xi32> to vector<16xi32>
          %swap3A_118 = vector.shape_cast %get3A_114 : vector<16xi32> to vector<16xi32>
          tpu.vector_store %arg11[%swap3A_115], %swap3A_118 {strides = array<i32>} : memref<6400xi32, #tpu.memory_space<vmem>>, vector<16xi32>,
          %mul3A_119 = arith.constant 8 : i32
          %mul3A_120 = arith.muli %scan3A_75, %mul3A_119 : i32
          %add3A_121 = arith.constant 3 : i32
          %add3A_122 = arith.addi %mul3A_120, %add3A_121 : i32
          %mul3A_123 = arith.constant 16 : i32
          %mul3A_124 = arith.muli %add3A_122, %mul3A_123 : i32
          %get3A_125 = arith.constant 1 : i32
          %get3A_126 = arith.index_cast %get3A_125 : i32 to index
          %get3A_127 = arith.index_cast %mul3A_124 : i32 to index
          %get3A_128 = tpu.vector_load %arg8[%get3A_126, %get3A_127] {strides = array<i32>} : memref<2x6400xi32, #tpu.memory_space<vmem>>, vector<1x16xi32>,
          %get3A_129 = vector.shape_cast %get3A_128 : vector<1x16xi32> to vector<16xi32>
          %swap3A_130 = arith.index_cast %mul3A_124 : i32 to index
          %swap3A_131 = tpu.vector_load %arg11[%swap3A_130] {strides = array<i32>} : memref<6400xi32, #tpu.memory_space<vmem>>, vector<16xi32>,
          %swap3A_132 = vector.shape_cast %swap3A_131 : vector<16xi32> to vector<16xi32>
          %swap3A_133 = vector.shape_cast %get3A_129 : vector<16xi32> to vector<16xi32>
          tpu.vector_store %arg11[%swap3A_130], %swap3A_133 {strides = array<i32>} : memref<6400xi32, #tpu.memory_space<vmem>>, vector<16xi32>,
          %mul3A_134 = arith.constant 8 : i32
          %mul3A_135 = arith.muli %scan3A_75, %mul3A_134 : i32
          %add3A_136 = arith.constant 4 : i32
          %add3A_137 = arith.addi %mul3A_135, %add3A_136 : i32
          %mul3A_138 = arith.constant 16 : i32
          %mul3A_139 = arith.muli %add3A_137, %mul3A_138 : i32
          %get3A_140 = arith.constant 1 : i32
          %get3A_141 = arith.index_cast %get3A_140 : i32 to index
          %get3A_142 = arith.index_cast %mul3A_139 : i32 to index
          %get3A_143 = tpu.vector_load %arg8[%get3A_141, %get3A_142] {strides = array<i32>} : memref<2x6400xi32, #tpu.memory_space<vmem>>, vector<1x16xi32>,
          %get3A_144 = vector.shape_cast %get3A_143 : vector<1x16xi32> to vector<16xi32>
          %swap3A_145 = arith.index_cast %mul3A_139 : i32 to index
          %swap3A_146 = tpu.vector_load %arg11[%swap3A_145] {strides = array<i32>} : memref<6400xi32, #tpu.memory_space<vmem>>, vector<16xi32>,
          %swap3A_147 = vector.shape_cast %swap3A_146 : vector<16xi32> to vector<16xi32>
          %swap3A_148 = vector.shape_cast %get3A_144 : vector<16xi32> to vector<16xi32>
          tpu.vector_store %arg11[%swap3A_145], %swap3A_148 {strides = array<i32>} : memref<6400xi32, #tpu.memory_space<vmem>>, vector<16xi32>,
          %mul3A_149 = arith.constant 8 : i32
          %mul3A_150 = arith.muli %scan3A_75, %mul3A_149 : i32
          %add3A_151 = arith.constant 5 : i32
          %add3A_152 = arith.addi %mul3A_150, %add3A_151 : i32
          %mul3A_153 = arith.constant 16 : i32
          %mul3A_154 = arith.muli %add3A_152, %mul3A_153 : i32
          %get3A_155 = arith.constant 1 : i32
          %get3A_156 = arith.index_cast %get3A_155 : i32 to index
          %get3A_157 = arith.index_cast %mul3A_154 : i32 to index
          %get3A_158 = tpu.vector_load %arg8[%get3A_156, %get3A_157] {strides = array<i32>} : memref<2x6400xi32, #tpu.memory_space<vmem>>, vector<1x16xi32>,
          %get3A_159 = vector.shape_cast %get3A_158 : vector<1x16xi32> to vector<16xi32>
          %swap3A_160 = arith.index_cast %mul3A_154 : i32 to index
          %swap3A_161 = tpu.vector_load %arg11[%swap3A_160] {strides = array<i32>} : memref<6400xi32, #tpu.memory_space<vmem>>, vector<16xi32>,
          %swap3A_162 = vector.shape_cast %swap3A_161 : vector<16xi32> to vector<16xi32>
          %swap3A_163 = vector.shape_cast %get3A_159 : vector<16xi32> to vector<16xi32>
          tpu.vector_store %arg11[%swap3A_160], %swap3A_163 {strides = array<i32>} : memref<6400xi32, #tpu.memory_space<vmem>>, vector<16xi32>,
          %mul3A_164 = arith.constant 8 : i32
          %mul3A_165 = arith.muli %scan3A_75, %mul3A_164 : i32
          %add3A_166 = arith.constant 6 : i32
          %add3A_167 = arith.addi %mul3A_165, %add3A_166 : i32
          %mul3A_168 = arith.constant 16 : i32
          %mul3A_169 = arith.muli %add3A_167, %mul3A_168 : i32
          %get3A_170 = arith.constant 1 : i32
          %get3A_171 = arith.index_cast %get3A_170 : i32 to index
          %get3A_172 = arith.index_cast %mul3A_169 : i32 to index
          %get3A_173 = tpu.vector_load %arg8[%get3A_171, %get3A_172] {strides = array<i32>} : memref<2x6400xi32, #tpu.memory_space<vmem>>, vector<1x16xi32>,
          %get3A_174 = vector.shape_cast %get3A_173 : vector<1x16xi32> to vector<16xi32>
          %swap3A_175 = arith.index_cast %mul3A_169 : i32 to index
          %swap3A_176 = tpu.vector_load %arg11[%swap3A_175] {strides = array<i32>} : memref<6400xi32, #tpu.memory_space<vmem>>, vector<16xi32>,
          %swap3A_177 = vector.shape_cast %swap3A_176 : vector<16xi32> to vector<16xi32>
          %swap3A_178 = vector.shape_cast %get3A_174 : vector<16xi32> to vector<16xi32>
          tpu.vector_store %arg11[%swap3A_175], %swap3A_178 {strides = array<i32>} : memref<6400xi32, #tpu.memory_space<vmem>>, vector<16xi32>,
          %mul3A_179 = arith.constant 8 : i32
          %mul3A_180 = arith.muli %scan3A_75, %mul3A_179 : i32
          %add3A_181 = arith.constant 7 : i32
          %add3A_182 = arith.addi %mul3A_180, %add3A_181 : i32
          %mul3A_183 = arith.constant 16 : i32
          %mul3A_184 = arith.muli %add3A_182, %mul3A_183 : i32
          %get3A_185 = arith.constant 1 : i32
          %get3A_186 = arith.index_cast %get3A_185 : i32 to index
          %get3A_187 = arith.index_cast %mul3A_184 : i32 to index
          %get3A_188 = tpu.vector_load %arg8[%get3A_186, %get3A_187] {strides = array<i32>} : memref<2x6400xi32, #tpu.memory_space<vmem>>, vector<1x16xi32>,
          %get3A_189 = vector.shape_cast %get3A_188 : vector<1x16xi32> to vector<16xi32>
          %swap3A_190 = arith.index_cast %mul3A_184 : i32 to index
          %swap3A_191 = tpu.vector_load %arg11[%swap3A_190] {strides = array<i32>} : memref<6400xi32, #tpu.memory_space<vmem>>, vector<16xi32>,
          %swap3A_192 = vector.shape_cast %swap3A_191 : vector<16xi32> to vector<16xi32>
          %swap3A_193 = vector.shape_cast %get3A_189 : vector<16xi32> to vector<16xi32>
          tpu.vector_store %arg11[%swap3A_190], %swap3A_193 {strides = array<i32>} : memref<6400xi32, #tpu.memory_space<vmem>>, vector<16xi32>,
        }
        %scan3A_74 = arith.constant 50 : i32
        "tpu.region"() ({
          %run_scoped3A = tpu.sem_alloc : memref<!tpu.dma_semaphore, #tpu.memory_space<semaphore_mem>>
          %dma_start3A_75 = arith.constant 0 : i32
          %dma_start3A_76 = tpu.memref_slice %arg13[%dma_start3A_75] : memref<100352xf32, #tpu.memory_space<vmem_shared>> -> memref<100352xf32, #tpu.memory_space<vmem_shared>>
          tpu.enqueue_indirect_dma source(%arg9 : memref<6400xf32, #tpu.memory_space<vmem>>) target(%dma_start3A_76 : memref<100352xf32, #tpu.memory_space<vmem_shared>>) offsets(%arg11 : memref<6400xi32, #tpu.memory_space<vmem>>) semaphore(%run_scoped3A : memref<!tpu.dma_semaphore, #tpu.memory_space<semaphore_mem>>) {add = true}
          %dma_wait3A_77 = arith.constant 0 : i32
          %dma_wait3A_78 = tpu.memref_slice %arg13[%dma_wait3A_77] : memref<100352xf32, #tpu.memory_space<vmem_shared>> -> memref<100352xf32, #tpu.memory_space<vmem_shared>>
          tpu.wait_indirect_dma semaphore(%run_scoped3A : memref<!tpu.dma_semaphore, #tpu.memory_space<semaphore_mem>>) src(%arg9 : memref<6400xf32, #tpu.memory_space<vmem>>) dst(%dma_wait3A_78 : memref<100352xf32, #tpu.memory_space<vmem_shared>>)
          tpu.yield
        }) : () -> ()
      } else {
      }
    }
    %scan3A_22 = arith.constant 16 : i32
    %barrier3A_23 = arith.constant 0 : index
    tpu.barrier barrier_id(%barrier3A_23)
    "tpu.region"() ({
      %run_scoped3A = tpu.sem_alloc : memref<!tpu.dma_semaphore, #tpu.memory_space<semaphore_mem>>
      %dma_start3A_31 = tpu.memref_slice %arg13[%mul3A_2] : memref<100352xf32, #tpu.memory_space<vmem_shared>> -> memref<6272xf32, #tpu.memory_space<vmem_shared>>
      %dma_start3A_32 = tpu.memref_slice %arg13[%mul3A_2] : memref<100352xf32, #tpu.memory_space<vmem_shared>> -> memref<6272xf32, #tpu.memory_space<vmem_shared>>
      tpu.enqueue_dma source(%dma_start3A_32 : memref<6272xf32, #tpu.memory_space<vmem_shared>>) target(%arg12 : memref<6272xf32, #tpu.memory_space<vmem>>) target_semaphore(%run_scoped3A : memref<!tpu.dma_semaphore, #tpu.memory_space<semaphore_mem>>)
      %dma_wait3A = tpu.memref_slice %arg13[%mul3A_2] : memref<100352xf32, #tpu.memory_space<vmem_shared>> -> memref<6272xf32, #tpu.memory_space<vmem_shared>>
      %dma_wait3A_33 = tpu.memref_slice %arg13[%mul3A_2] : memref<100352xf32, #tpu.memory_space<vmem_shared>> -> memref<6272xf32, #tpu.memory_space<vmem_shared>>
      tpu.wait_dma2 semaphore(%run_scoped3A : memref<!tpu.dma_semaphore, #tpu.memory_space<semaphore_mem>>) src(%dma_wait3A_33 : memref<6272xf32, #tpu.memory_space<vmem_shared>>) dst(%arg12 : memref<6272xf32, #tpu.memory_space<vmem>>)
      tpu.yield
    }) : () -> ()
    %eq3A = arith.constant 0 : i32
    %eq3A_24 = arith.cmpi eq, %arg0, %eq3A : i32
    %convert_element_type3A = arith.extui %eq3A_24 : i1 to i32
    %cond3A = arith.constant 0 : i32
    %cond3A_25 = arith.cmpi ne, %convert_element_type3A, %cond3A : i32
    scf.if %cond3A_25 {
      "tpu.region"() ({
        %run_scoped3A = tpu.sem_alloc : memref<!tpu.dma_semaphore, #tpu.memory_space<semaphore_mem>>
        %dma_start3A_31 = tpu.memref_slice %arg4[%mul3A_2] : memref<100352xf32, #tpu.memory_space<hbm>> -> memref<6272xf32, #tpu.memory_space<hbm>>
        %dma_start3A_32 = tpu.memref_slice %arg4[%mul3A_2] : memref<100352xf32, #tpu.memory_space<hbm>> -> memref<6272xf32, #tpu.memory_space<hbm>>
        tpu.enqueue_dma source(%arg12 : memref<6272xf32, #tpu.memory_space<vmem>>) target(%dma_start3A_32 : memref<6272xf32, #tpu.memory_space<hbm>>) target_semaphore(%run_scoped3A : memref<!tpu.dma_semaphore, #tpu.memory_space<semaphore_mem>>)
        %dma_wait3A = tpu.memref_slice %arg4[%mul3A_2] : memref<100352xf32, #tpu.memory_space<hbm>> -> memref<6272xf32, #tpu.memory_space<hbm>>
        %dma_wait3A_33 = tpu.memref_slice %arg4[%mul3A_2] : memref<100352xf32, #tpu.memory_space<hbm>> -> memref<6272xf32, #tpu.memory_space<hbm>>
        tpu.wait_dma2 semaphore(%run_scoped3A : memref<!tpu.dma_semaphore, #tpu.memory_space<semaphore_mem>>) src(%arg12 : memref<6272xf32, #tpu.memory_space<vmem>>) dst(%dma_wait3A_33 : memref<6272xf32, #tpu.memory_space<hbm>>)
        tpu.yield
      }) : () -> ()
    } else {
    }
    %eq3A_26 = arith.constant 1 : i32
    %eq3A_27 = arith.cmpi eq, %arg0, %eq3A_26 : i32
    %convert_element_type3A_28 = arith.extui %eq3A_27 : i1 to i32
    %cond3A_29 = arith.constant 0 : i32
    %cond3A_30 = arith.cmpi ne, %convert_element_type3A_28, %cond3A_29 : i32
    scf.if %cond3A_30 {
      "tpu.region"() ({
        %run_scoped3A = tpu.sem_alloc : memref<!tpu.dma_semaphore, #tpu.memory_space<semaphore_mem>>
        %dma_start3A_31 = tpu.memref_slice %arg5[%mul3A_2] : memref<100352xf32, #tpu.memory_space<hbm>> -> memref<6272xf32, #tpu.memory_space<hbm>>
        %dma_start3A_32 = tpu.memref_slice %arg5[%mul3A_2] : memref<100352xf32, #tpu.memory_space<hbm>> -> memref<6272xf32, #tpu.memory_space<hbm>>
        tpu.enqueue_dma source(%arg12 : memref<6272xf32, #tpu.memory_space<vmem>>) target(%dma_start3A_32 : memref<6272xf32, #tpu.memory_space<hbm>>) target_semaphore(%run_scoped3A : memref<!tpu.dma_semaphore, #tpu.memory_space<semaphore_mem>>)
        %dma_wait3A = tpu.memref_slice %arg5[%mul3A_2] : memref<100352xf32, #tpu.memory_space<hbm>> -> memref<6272xf32, #tpu.memory_space<hbm>>
        %dma_wait3A_33 = tpu.memref_slice %arg5[%mul3A_2] : memref<100352xf32, #tpu.memory_space<hbm>> -> memref<6272xf32, #tpu.memory_space<hbm>>
        tpu.wait_dma2 semaphore(%run_scoped3A : memref<!tpu.dma_semaphore, #tpu.memory_space<semaphore_mem>>) src(%arg12 : memref<6272xf32, #tpu.memory_space<vmem>>) dst(%dma_wait3A_33 : memref<6272xf32, #tpu.memory_space<hbm>>)
        tpu.yield
      }) : () -> ()
    } else {
    }
    return
  }
}

module attributes {stable_mosaic.version = 14 : i64} {
  func.func @_tc_mlp_body(%arg0: i32, %arg1: memref<8192x128xf32, #tpu.memory_space<vmem>>, %arg2: memref<8192xf32, #tpu.memory_space<vmem>>, %arg3: memref<8192xf32, #tpu.memory_space<vmem>>, %arg4: memref<910x128xf32, #tpu.memory_space<vmem>>, %arg5: memref<8x128xf32, #tpu.memory_space<vmem>>, %arg6: memref<8x1xf32, #tpu.memory_space<vmem>>, %arg7: memref<8x8192xf32, #tpu.memory_space<vmem>>) attributes {dimension_semantics = [#tpu.dimension_semantics<arbitrary>], iteration_bounds = array<i64: 13>, scalar_prefetch = 0 : i64, scratch_operands = 0 : i64, tpu.core_type = #tpu.core_type<tc>, window_params = [{transform_indices = @transform_0, window_bounds = array<i64: 8192, 128>}, {transform_indices = @transform_1, window_bounds = array<i64: 8192>}, {transform_indices = @transform_2, window_bounds = array<i64: 8192>}, {pipeline_mode = #tpu.pipeline_mode<synchronous>, transform_indices = @transform_3, window_bounds = array<i64: 910, 128>}, {pipeline_mode = #tpu.pipeline_mode<synchronous>, transform_indices = @transform_4, window_bounds = array<i64: 8, 128>}, {pipeline_mode = #tpu.pipeline_mode<synchronous>, transform_indices = @transform_5, window_bounds = array<i64: 8, 1>}, {transform_indices = @transform_6, window_bounds = array<i64: 8, 8192>}]} {
    %get3A = arith.constant 0 : index
    %get3A_0 = vector.load %arg2[%get3A] : memref<8192xf32, #tpu.memory_space<vmem>>, vector<8192xf32>
    %get3A_1 = arith.constant 0 : index
    %get3A_2 = vector.load %arg3[%get3A_1] : memref<8192xf32, #tpu.memory_space<vmem>>, vector<8192xf32>
    %add3A = arith.addf %get3A_0, %get3A_2 : vector<8192xf32>
    %reshape3A = vector.shape_cast %add3A : vector<8192xf32> to vector<8192x1xf32>
    %get3A_3 = arith.constant 0 : index
    %get3A_4 = arith.constant 0 : index
    %get3A_5 = vector.load %arg1[%get3A_3, %get3A_4] : memref<8192x128xf32, #tpu.memory_space<vmem>>, vector<8192x128xf32>
    %get3A_6 = arith.constant 0 : index
    %get3A_7 = arith.constant 0 : index
    %get3A_8 = vector.load %arg4[%get3A_6, %get3A_7] : memref<910x128xf32, #tpu.memory_space<vmem>>, vector<128x128xf32>
    %dot_general3A = arith.constant dense<0.000000e+00> : vector<8192x128xf32>
    %dot_general3A_9 = tpu.matmul %get3A_5, %get3A_8, %dot_general3A {dimension_numbers = #tpu.dot_dimension_numbers<[1], [0], [0], [1], [0, 0, 1, 1], [], []>, transpose_lhs_hint = false} : vector<8192x128xf32>, vector<128x128xf32>, vector<8192x128xf32> -> vector<8192x128xf32>
    %get3A_10 = arith.constant 896 : index
    %get3A_11 = arith.constant 0 : index
    %get3A_12 = vector.load %arg4[%get3A_10, %get3A_11] : memref<910x128xf32, #tpu.memory_space<vmem>>, vector<1x128xf32>
    %mul3A = vector.broadcast %reshape3A : vector<8192x1xf32> to vector<8192x128xf32>
    %mul3A_13 = vector.broadcast %get3A_12 : vector<1x128xf32> to vector<8192x128xf32>
    %mul3A_14 = arith.mulf %mul3A, %mul3A_13 : vector<8192x128xf32>
    %add3A_15 = arith.addf %dot_general3A_9, %mul3A_14 : vector<8192x128xf32>
    %get3A_16 = arith.constant 902 : index
    %get3A_17 = arith.constant 0 : index
    %get3A_18 = vector.load %arg4[%get3A_16, %get3A_17] : memref<910x128xf32, #tpu.memory_space<vmem>>, vector<1x128xf32>
    %add3A_19 = vector.broadcast %get3A_18 : vector<1x128xf32> to vector<8192x128xf32>
    %add3A_20 = arith.addf %add3A_15, %add3A_19 : vector<8192x128xf32>
    %max3A = arith.constant 0.000000e+00 : f32
    %max3A_21 = vector.broadcast %max3A : f32 to vector<8192x128xf32>
    %max3A_22 = arith.maximumf %add3A_20, %max3A_21 : vector<8192x128xf32>
    %get3A_23 = arith.constant 128 : index
    %get3A_24 = arith.constant 0 : index
    %get3A_25 = vector.load %arg4[%get3A_23, %get3A_24] : memref<910x128xf32, #tpu.memory_space<vmem>>, vector<128x128xf32>
    %dot_general3A_26 = arith.constant dense<0.000000e+00> : vector<8192x128xf32>
    %dot_general3A_27 = tpu.matmul %max3A_22, %get3A_25, %dot_general3A_26 {dimension_numbers = #tpu.dot_dimension_numbers<[1], [0], [0], [1], [0, 0, 1, 1], [], []>, transpose_lhs_hint = false} : vector<8192x128xf32>, vector<128x128xf32>, vector<8192x128xf32> -> vector<8192x128xf32>
    %get3A_28 = arith.constant 897 : index
    %get3A_29 = arith.constant 0 : index
    %get3A_30 = vector.load %arg4[%get3A_28, %get3A_29] : memref<910x128xf32, #tpu.memory_space<vmem>>, vector<1x128xf32>
    %mul3A_31 = vector.broadcast %reshape3A : vector<8192x1xf32> to vector<8192x128xf32>
    %mul3A_32 = vector.broadcast %get3A_30 : vector<1x128xf32> to vector<8192x128xf32>
    %mul3A_33 = arith.mulf %mul3A_31, %mul3A_32 : vector<8192x128xf32>
    %add3A_34 = arith.addf %dot_general3A_27, %mul3A_33 : vector<8192x128xf32>
    %get3A_35 = arith.constant 903 : index
    %get3A_36 = arith.constant 0 : index
    %get3A_37 = vector.load %arg4[%get3A_35, %get3A_36] : memref<910x128xf32, #tpu.memory_space<vmem>>, vector<1x128xf32>
    %add3A_38 = vector.broadcast %get3A_37 : vector<1x128xf32> to vector<8192x128xf32>
    %add3A_39 = arith.addf %add3A_34, %add3A_38 : vector<8192x128xf32>
    %max3A_40 = arith.constant 0.000000e+00 : f32
    %max3A_41 = vector.broadcast %max3A_40 : f32 to vector<8192x128xf32>
    %max3A_42 = arith.maximumf %add3A_39, %max3A_41 : vector<8192x128xf32>
    %get3A_43 = arith.constant 256 : index
    %get3A_44 = arith.constant 0 : index
    %get3A_45 = vector.load %arg4[%get3A_43, %get3A_44] : memref<910x128xf32, #tpu.memory_space<vmem>>, vector<128x128xf32>
    %dot_general3A_46 = arith.constant dense<0.000000e+00> : vector<8192x128xf32>
    %dot_general3A_47 = tpu.matmul %max3A_42, %get3A_45, %dot_general3A_46 {dimension_numbers = #tpu.dot_dimension_numbers<[1], [0], [0], [1], [0, 0, 1, 1], [], []>, transpose_lhs_hint = false} : vector<8192x128xf32>, vector<128x128xf32>, vector<8192x128xf32> -> vector<8192x128xf32>
    %get3A_48 = arith.constant 898 : index
    %get3A_49 = arith.constant 0 : index
    %get3A_50 = vector.load %arg4[%get3A_48, %get3A_49] : memref<910x128xf32, #tpu.memory_space<vmem>>, vector<1x128xf32>
    %mul3A_51 = vector.broadcast %reshape3A : vector<8192x1xf32> to vector<8192x128xf32>
    %mul3A_52 = vector.broadcast %get3A_50 : vector<1x128xf32> to vector<8192x128xf32>
    %mul3A_53 = arith.mulf %mul3A_51, %mul3A_52 : vector<8192x128xf32>
    %add3A_54 = arith.addf %dot_general3A_47, %mul3A_53 : vector<8192x128xf32>
    %get3A_55 = arith.constant 904 : index
    %get3A_56 = arith.constant 0 : index
    %get3A_57 = vector.load %arg4[%get3A_55, %get3A_56] : memref<910x128xf32, #tpu.memory_space<vmem>>, vector<1x128xf32>
    %add3A_58 = vector.broadcast %get3A_57 : vector<1x128xf32> to vector<8192x128xf32>
    %add3A_59 = arith.addf %add3A_54, %add3A_58 : vector<8192x128xf32>
    %max3A_60 = arith.constant 0.000000e+00 : f32
    %max3A_61 = vector.broadcast %max3A_60 : f32 to vector<8192x128xf32>
    %max3A_62 = arith.maximumf %add3A_59, %max3A_61 : vector<8192x128xf32>
    %get3A_63 = arith.constant 384 : index
    %get3A_64 = arith.constant 0 : index
    %get3A_65 = vector.load %arg4[%get3A_63, %get3A_64] : memref<910x128xf32, #tpu.memory_space<vmem>>, vector<128x128xf32>
    %dot_general3A_66 = arith.constant dense<0.000000e+00> : vector<8192x128xf32>
    %dot_general3A_67 = tpu.matmul %max3A_62, %get3A_65, %dot_general3A_66 {dimension_numbers = #tpu.dot_dimension_numbers<[1], [0], [0], [1], [0, 0, 1, 1], [], []>, transpose_lhs_hint = false} : vector<8192x128xf32>, vector<128x128xf32>, vector<8192x128xf32> -> vector<8192x128xf32>
    %get3A_68 = arith.constant 899 : index
    %get3A_69 = arith.constant 0 : index
    %get3A_70 = vector.load %arg4[%get3A_68, %get3A_69] : memref<910x128xf32, #tpu.memory_space<vmem>>, vector<1x128xf32>
    %mul3A_71 = vector.broadcast %reshape3A : vector<8192x1xf32> to vector<8192x128xf32>
    %mul3A_72 = vector.broadcast %get3A_70 : vector<1x128xf32> to vector<8192x128xf32>
    %mul3A_73 = arith.mulf %mul3A_71, %mul3A_72 : vector<8192x128xf32>
    %add3A_74 = arith.addf %dot_general3A_67, %mul3A_73 : vector<8192x128xf32>
    %get3A_75 = arith.constant 905 : index
    %get3A_76 = arith.constant 0 : index
    %get3A_77 = vector.load %arg4[%get3A_75, %get3A_76] : memref<910x128xf32, #tpu.memory_space<vmem>>, vector<1x128xf32>
    %add3A_78 = vector.broadcast %get3A_77 : vector<1x128xf32> to vector<8192x128xf32>
    %add3A_79 = arith.addf %add3A_74, %add3A_78 : vector<8192x128xf32>
    %max3A_80 = arith.constant 0.000000e+00 : f32
    %max3A_81 = vector.broadcast %max3A_80 : f32 to vector<8192x128xf32>
    %max3A_82 = arith.maximumf %add3A_79, %max3A_81 : vector<8192x128xf32>
    %get3A_83 = arith.constant 512 : index
    %get3A_84 = arith.constant 0 : index
    %get3A_85 = vector.load %arg4[%get3A_83, %get3A_84] : memref<910x128xf32, #tpu.memory_space<vmem>>, vector<128x128xf32>
    %dot_general3A_86 = arith.constant dense<0.000000e+00> : vector<8192x128xf32>
    %dot_general3A_87 = tpu.matmul %max3A_82, %get3A_85, %dot_general3A_86 {dimension_numbers = #tpu.dot_dimension_numbers<[1], [0], [0], [1], [0, 0, 1, 1], [], []>, transpose_lhs_hint = false} : vector<8192x128xf32>, vector<128x128xf32>, vector<8192x128xf32> -> vector<8192x128xf32>
    %get3A_88 = arith.constant 900 : index
    %get3A_89 = arith.constant 0 : index
    %get3A_90 = vector.load %arg4[%get3A_88, %get3A_89] : memref<910x128xf32, #tpu.memory_space<vmem>>, vector<1x128xf32>
    %mul3A_91 = vector.broadcast %reshape3A : vector<8192x1xf32> to vector<8192x128xf32>
    %mul3A_92 = vector.broadcast %get3A_90 : vector<1x128xf32> to vector<8192x128xf32>
    %mul3A_93 = arith.mulf %mul3A_91, %mul3A_92 : vector<8192x128xf32>
    %add3A_94 = arith.addf %dot_general3A_87, %mul3A_93 : vector<8192x128xf32>
    %get3A_95 = arith.constant 906 : index
    %get3A_96 = arith.constant 0 : index
    %get3A_97 = vector.load %arg4[%get3A_95, %get3A_96] : memref<910x128xf32, #tpu.memory_space<vmem>>, vector<1x128xf32>
    %add3A_98 = vector.broadcast %get3A_97 : vector<1x128xf32> to vector<8192x128xf32>
    %add3A_99 = arith.addf %add3A_94, %add3A_98 : vector<8192x128xf32>
    %max3A_100 = arith.constant 0.000000e+00 : f32
    %max3A_101 = vector.broadcast %max3A_100 : f32 to vector<8192x128xf32>
    %max3A_102 = arith.maximumf %add3A_99, %max3A_101 : vector<8192x128xf32>
    %get3A_103 = arith.constant 640 : index
    %get3A_104 = arith.constant 0 : index
    %get3A_105 = vector.load %arg4[%get3A_103, %get3A_104] : memref<910x128xf32, #tpu.memory_space<vmem>>, vector<128x128xf32>
    %dot_general3A_106 = arith.constant dense<0.000000e+00> : vector<8192x128xf32>
    %dot_general3A_107 = tpu.matmul %max3A_102, %get3A_105, %dot_general3A_106 {dimension_numbers = #tpu.dot_dimension_numbers<[1], [0], [0], [1], [0, 0, 1, 1], [], []>, transpose_lhs_hint = false} : vector<8192x128xf32>, vector<128x128xf32>, vector<8192x128xf32> -> vector<8192x128xf32>
    %get3A_108 = arith.constant 901 : index
    %get3A_109 = arith.constant 0 : index
    %get3A_110 = vector.load %arg4[%get3A_108, %get3A_109] : memref<910x128xf32, #tpu.memory_space<vmem>>, vector<1x128xf32>
    %mul3A_111 = vector.broadcast %reshape3A : vector<8192x1xf32> to vector<8192x128xf32>
    %mul3A_112 = vector.broadcast %get3A_110 : vector<1x128xf32> to vector<8192x128xf32>
    %mul3A_113 = arith.mulf %mul3A_111, %mul3A_112 : vector<8192x128xf32>
    %add3A_114 = arith.addf %dot_general3A_107, %mul3A_113 : vector<8192x128xf32>
    %get3A_115 = arith.constant 907 : index
    %get3A_116 = arith.constant 0 : index
    %get3A_117 = vector.load %arg4[%get3A_115, %get3A_116] : memref<910x128xf32, #tpu.memory_space<vmem>>, vector<1x128xf32>
    %add3A_118 = vector.broadcast %get3A_117 : vector<1x128xf32> to vector<8192x128xf32>
    %add3A_119 = arith.addf %add3A_114, %add3A_118 : vector<8192x128xf32>
    %max3A_120 = arith.constant 0.000000e+00 : f32
    %max3A_121 = vector.broadcast %max3A_120 : f32 to vector<8192x128xf32>
    %max3A_122 = arith.maximumf %add3A_119, %max3A_121 : vector<8192x128xf32>
    %get3A_123 = arith.constant 768 : index
    %get3A_124 = arith.constant 0 : index
    %get3A_125 = vector.load %arg4[%get3A_123, %get3A_124] : memref<910x128xf32, #tpu.memory_space<vmem>>, vector<128x128xf32>
    %dot_general3A_126 = arith.constant dense<0.000000e+00> : vector<8192x128xf32>
    %dot_general3A_127 = tpu.matmul %max3A_122, %get3A_125, %dot_general3A_126 {dimension_numbers = #tpu.dot_dimension_numbers<[1], [0], [0], [1], [0, 0, 1, 1], [], []>, transpose_lhs_hint = false} : vector<8192x128xf32>, vector<128x128xf32>, vector<8192x128xf32> -> vector<8192x128xf32>
    %get3A_128 = arith.constant 908 : index
    %get3A_129 = arith.constant 0 : index
    %get3A_130 = vector.load %arg4[%get3A_128, %get3A_129] : memref<910x128xf32, #tpu.memory_space<vmem>>, vector<1x128xf32>
    %add3A_131 = vector.broadcast %get3A_130 : vector<1x128xf32> to vector<8192x128xf32>
    %add3A_132 = arith.addf %dot_general3A_127, %add3A_131 : vector<8192x128xf32>
    %max3A_133 = arith.constant 0.000000e+00 : f32
    %max3A_134 = vector.broadcast %max3A_133 : f32 to vector<8192x128xf32>
    %max3A_135 = arith.maximumf %add3A_132, %max3A_134 : vector<8192x128xf32>
    %get3A_136 = arith.constant 0 : index
    %get3A_137 = arith.constant 0 : index
    %get3A_138 = vector.load %arg5[%get3A_136, %get3A_137] : memref<8x128xf32, #tpu.memory_space<vmem>>, vector<8x128xf32>
    %dot_general3A_139 = arith.constant dense<0.000000e+00> : vector<8x8192xf32>
    %dot_general3A_140 = tpu.matmul %get3A_138, %max3A_135, %dot_general3A_139 {dimension_numbers = #tpu.dot_dimension_numbers<[1], [1], [0], [0], [0, 0, 1, 0], [], []>, transpose_lhs_hint = false} : vector<8x128xf32>, vector<8192x128xf32>, vector<8x8192xf32> -> vector<8x8192xf32>
    %get3A_141 = arith.constant 0 : index
    %get3A_142 = arith.constant 0 : index
    %get3A_143 = vector.load %arg6[%get3A_141, %get3A_142] : memref<8x1xf32, #tpu.memory_space<vmem>>, vector<8x1xf32>
    %add3A_144 = vector.broadcast %get3A_143 : vector<8x1xf32> to vector<8x8192xf32>
    %add3A_145 = arith.addf %dot_general3A_140, %add3A_144 : vector<8x8192xf32>
    %swap3A = arith.constant 0 : index
    %swap3A_146 = arith.constant 0 : index
    %swap3A_147 = vector.load %arg7[%swap3A, %swap3A_146] : memref<8x8192xf32, #tpu.memory_space<vmem>>, vector<8x8192xf32>
    tpu.vector_store %arg7[%swap3A, %swap3A_146], %add3A_145 {strides = array<i32>} : memref<8x8192xf32, #tpu.memory_space<vmem>>, vector<8x8192xf32>,
    return
  }
  func.func @transform_0(%arg0: i32) -> (i32, i32) {
    %c0_i32 = arith.constant 0 : i32
    %c0_i32_0 = arith.constant 0 : i32
    return %arg0, %c0_i32 : i32, i32
  }
  func.func @transform_1(%arg0: i32) -> i32 {
    %c0_i32 = arith.constant 0 : i32
    return %arg0 : i32
  }
  func.func @transform_2(%arg0: i32) -> i32 {
    %c0_i32 = arith.constant 0 : i32
    return %arg0 : i32
  }
  func.func @transform_3(%arg0: i32) -> (i32, i32) {
    %c0_i32 = arith.constant 0 : i32
    %c0_i32_0 = arith.constant 0 : i32
    %c0_i32_1 = arith.constant 0 : i32
    return %c0_i32, %c0_i32_0 : i32, i32
  }
  func.func @transform_4(%arg0: i32) -> (i32, i32) {
    %c0_i32 = arith.constant 0 : i32
    %c0_i32_0 = arith.constant 0 : i32
    %c0_i32_1 = arith.constant 0 : i32
    return %c0_i32, %c0_i32_0 : i32, i32
  }
  func.func @transform_5(%arg0: i32) -> (i32, i32) {
    %c0_i32 = arith.constant 0 : i32
    %c0_i32_0 = arith.constant 0 : i32
    %c0_i32_1 = arith.constant 0 : i32
    return %c0_i32, %c0_i32_0 : i32, i32
  }
  func.func @transform_6(%arg0: i32) -> (i32, i32) {
    %c0_i32 = arith.constant 0 : i32
    %c0_i32_0 = arith.constant 0 : i32
    return %c0_i32, %arg0 : i32, i32
  }
}

</mosaic_0001>

<sc_bundles>
// kernel: kernel.4.cloned.1.call-start
scs
__scs_entry_jumppad:
0x0: {  	(pc) =	sbr.rel $0x88, $3  }
0x1: {  	(tag) =	ssettag $0x0;
	lr =	simm.s32 $0x1  }
0x2: {  	[smem:$0x3F8E] =	sst lr;
	_ =	strace $0xD0000000  }
0x3: {  	_ = 	snop  }
0x4: {  	_ = 	snop  }
0x5: {  	_ = 	snop  }
0x6: {  	_ = 	snop  }
0x7: {  	_ = 	snop  }
__scs_overlays_trampoline_lowered:
0x8: {  	[smem:$0x3F9D] =	sst s0  }
0x9: {  	[smem:$0x3F9E] =	sst s1  }
0xa: {  	[smem:$0x3F9F] =	sst s2  }
0xb: {  	[smem:$0x3FA0] =	sst s3  }
0xc: {  	[smem:$0x3FA1] =	sst s4  }
0xd: {  	[smem:$0x3FA2] =	sst s5  }
0xe: {  	[smem:$0x3FA3] =	sst s6  }
0xf: {  	[smem:$0x3FA4] =	sst s7  }
0x10: {  	[smem:$0x3FA5] =	sst s8  }
0x11: {  	[smem:$0x3FA6] =	sst s9;
	s0 =	simm.s32 @!p0 $0x0  }
0x12: {  	s1 =	sld [smem:$0x3F8C];
	s0 =	simm.s32 @p0 $0x1  }
0x13: {  	[smem:$0x3FA7] =	sst s0;
	s0 =	simm.s32 @!p1 $0x0  }
0x14: {  	s2 =	sld [smem:$0x3F8B];
	s0 =	simm.s32 @p1 $0x1  }
0x15: {  	[smem:$0x3FA8] =	sst s0;
	s0 =	simm.s32 @!p2 $0x0  }
0x16: {  	s3 =	sld [smem:$0x3FDB];
	s0 =	simm.s32 @p2 $0x1  }
0x17: {  	s4 =	simm.s32 $0x1BF5;
	[smem:$0x3FAA] =	sst s0  }
0x18: {  	s0 =	sld [smem:$0x3F8D];
	_ =	swait.ge [sflag:s4], $0x0  }
0x19: {  	s7 =	sld [smem:$0x3F8E]  }
0x1a: {  	s8 =	sadd.s32 $0xFFFFE003, lr  }
0x1b: {  	s9 =	sadd.s32 $0xFFFFFEF7, lr;
	s5 =	simm.s32 $0xFFFFFFFF;
	p2 =	slt.u32 s8, $0xFFFFF086  }
0x1c: {  	p1 =	slt.u32 s9, $0xF7A;
	s5 =	simm.s32 @!p2 $0x0  }
0x1d: {  	s5 =	simm.s32 @p1 $0x1;
	p0 =	seq.s32 s7, s2  }
0x1e: {  	s7 =	smul.u32 @!p0 $0xF7A, s2;
	p2 =	seq.s32 @!p0 s5, $0x0  }
0x1f: {  	s9 =	smul.u32 $0xF7A, s1;
	s8 =	simm.s32 @!p0 $0x1BF5;
	p2 =	por !p2, p0  }
0x20: {  	[sflag:s8] =	ssyncset.s32 @!p0 $0xFFFFF086;
	s6 =	sadd.s32 @!p0 s3, s7;
	s7 =	simm.s32 @!p0 $0x108  }
0x21: {  	s3 =	sadd.s32 s3, s9;
	s6 =	sadd.s32 @!p0 $0x88, s6;
	s7 =	simm.s32 @p2 $0x1082  }
0x22: {  	[simem:s7], [sflag:s8] =	dma.local @!p0 [hbm:s6], $0xF7A  }
0x23: {  	s9 =	sor.u32 $0xD0000000, s2;
	s6 =	simm.s32 $0x108;
	_ =	swait.ge @!p0 [sflag:s8], $0x0  }
0x24: {  	s3 =	sadd.s32 $0x88, s3;
	s6 =	simm.s32 @!p1 $0x1082;
	[sflag:s4] =	ssyncset.s32 $0xFFFFF086  }
0x25: {  	[simem:s6], [sflag:s4] =	dma.local [hbm:s3], $0xF7A  }
0x26: {  	[smem:$0x3F8E] =	sst s1;
	(tag) =	ssettag s2;
	_ =	strace s9  }
0x27: {  	s1 =	sld [smem:$0x3F9E]  }
0x28: {  	s2 =	sld [smem:$0x3F9F]  }
0x29: {  	s4 =	sld [smem:$0x3FA1]  }
0x2a: {  	p0 =	seq.s32 s5, $0x0;
	s5 =	sld [smem:$0x3FA2]  }
0x2b: {  	s6 =	sld [smem:$0x3FA3]  }
0x2c: {  	s7 =	sld [smem:$0x3FA4]  }
0x2d: {  	s3 =	simm.s32 $0x108;
	s8 =	sld [smem:$0x3FA5]  }
0x2e: {  	s3 =	simm.s32 @!p0 $0x1082;
	s9 =	sld [smem:$0x3FA6]  }
0x2f: {  	lr =	sadd.s32 s0, s3;
	s0 =	sld [smem:$0x3F9D]  }
0x30: {  	s3 =	sld [smem:$0x3FA0]  }
0x31: {  	[smem:$0x3FA9] =	sst s10  }
0x32: {  	s10 =	sld [smem:$0x3FA7];
	_ =	sdelay $0x3  }
0x33: {  	p0 =	seq.s32 s10, $0x1;
	s10 =	sld [smem:$0x3FA9];
	_ =	sdelay $0x3  }
0x34: {  	[smem:$0x3FA9] =	sst s10  }
0x35: {  	s10 =	sld [smem:$0x3FA8];
	_ =	sdelay $0x3  }
0x36: {  	p1 =	seq.s32 s10, $0x1;
	s10 =	sld [smem:$0x3FA9];
	_ =	sdelay $0x3  }
0x37: {  	[smem:$0x3FA9] =	sst s10  }
0x38: {  	s10 =	sld [smem:$0x3FAA]  }
0x39: {  	_ = 	snop;
	(pc) =	sbr.ind lr, $3  }
0x3a: {  	_ = 	snop  }
0x3b: {  	_ = 	snop  }
0x3c: {  	p2 =	seq.s32 s10, $0x1;
	s10 =	sld [smem:$0x3FA9]  }
0x3d: {  	_ =	shalt  }
0x3e: {  	_ =	shalt  }
0x3f: {  	_ =	shalt  }
0x40: {  	_ =	shalt  }
0x41: {  	_ =	shalt  }
0x42: {  	_ =	shalt  }
0x43: {  	_ =	shalt  }
0x44: {  	_ =	shalt  }
0x45: {  	_ =	shalt  }
0x46: {  	_ =	shalt  }
0x47: {  	_ =	shalt  }
0x48: {  	_ =	shalt  }
0x49: {  	_ =	shalt  }
0x4a: {  	_ =	shalt  }
0x4b: {  	_ =	shalt  }
0x4c: {  	_ =	shalt  }
0x4d: {  	_ =	shalt  }
0x4e: {  	_ =	shalt  }
0x4f: {  	_ =	shalt  }
0x50: {  	_ =	shalt  }
0x51: {  	_ =	shalt  }
0x52: {  	_ =	shalt  }
0x53: {  	_ =	shalt  }
0x54: {  	_ =	shalt  }
0x55: {  	_ =	shalt  }
0x56: {  	_ =	shalt  }
0x57: {  	_ =	shalt  }
0x58: {  	_ =	shalt  }
0x59: {  	_ =	shalt  }
0x5a: {  	_ =	shalt  }
0x5b: {  	_ =	shalt  }
0x5c: {  	_ =	shalt  }
0x5d: {  	_ =	shalt  }
0x5e: {  	_ =	shalt  }
0x5f: {  	_ =	shalt  }
0x60: {  	_ =	shalt  }
0x61: {  	_ =	shalt  }
0x62: {  	_ =	shalt  }
0x63: {  	_ =	shalt  }
0x64: {  	_ =	shalt  }
0x65: {  	_ =	shalt  }
0x66: {  	_ =	shalt  }
0x67: {  	_ =	shalt  }
0x68: {  	_ =	shalt  }
0x69: {  	_ =	shalt  }
0x6a: {  	_ =	shalt  }
0x6b: {  	_ =	shalt  }
0x6c: {  	_ =	shalt  }
0x6d: {  	_ =	shalt  }
0x6e: {  	_ =	shalt  }
0x6f: {  	_ =	shalt  }
0x70: {  	_ =	shalt  }
0x71: {  	_ =	shalt  }
0x72: {  	_ =	shalt  }
0x73: {  	_ =	shalt  }
0x74: {  	_ =	shalt  }
0x75: {  	_ =	shalt  }
0x76: {  	_ =	shalt  }
0x77: {  	_ =	shalt  }
0x78: {  	_ =	shalt  }
0x79: {  	_ =	shalt  }
0x7a: {  	_ =	shalt  }
0x7b: {  	_ =	shalt  }
0x7c: {  	_ =	shalt  }
0x7d: {  	_ =	shalt  }
0x7e: {  	_ =	shalt  }
0x7f: {  	_ =	shalt  }
0x80: {  	_ =	shalt  }
0x81: {  	_ =	shalt  }
0x82: {  	_ =	shalt  }
0x83: {  	_ =	shalt  }
0x84: {  	_ =	shalt  }
0x85: {  	_ =	shalt  }
0x86: {  	_ =	shalt  }
0x87: {  	_ =	shalt  }
.Lfunc_end0:
.L_simem_size_0:
called_computation_lowered:
.L_overlay_start_0:
0x88: {  	s2 =	sld [smem:$0x3FD9]  }
0x89: {  	s3 =	sld [smem:$0x3FFE];
	_ =	sdelay $0x1  }
0x8a: {  	s1 =	srdreg.scid  }
0x8b: {  	s0 =	sand.u32 $0x1, s1  }
0x8c: {  	s17 =	sshll.u32 s0, $0xA;
	s2 =	sadd.s32 s3, s2  }
0x8d: {  	s2 =	sadd.s32 s2, s17  }
0x8e: {  	[smem:$0x3FB5] =	sst s2  }
0x8f: {  	_ = 	snop  }
0x90: {  	s2 =	sld [smem:$0x3FC8]  }
0x91: {  	s18 =	sld [smem:$0x3FC7]  }
0x92: {  	s4 =	sld [smem:$0x3FD0];
	(tm) =	ssettm $0x1  }
0x93: {  	s5 =	sld [smem:$0x3FFB];
	_ =	sdelay $0x3  }
0x94: {  	_ =	strace s5  }
0x95: {  	s5 =	sld [smem:$0x3FFC];
	_ =	sdelay $0x3  }
0x96: {  	_ =	strace s5  }
0x97: {  	s5 =	sld [smem:$0x3FFD];
	_ =	sdelay $0x3  }
0x98: {  	_ =	strace s5  }
0x99: {  	_ =	strace $0x8FFFFFFF  }
0x9a: {  	s19 =	sld [smem:$0x3FDB];
	_ =	sdelay $0x1  }
0x9b: {  	s6 =	simm.s32 $_scs_section_size  }
0x9c: {  	s7 =	simm.s32 $_size__tile_overlayer_lowered;
	s8 =	simm.s32 $_tile_overlayer_lowered  }
0x9d: {  	s22 =	simm.s32 $0x1BFF;
	s21 =	sshll.u32 s8, $0x1;
	s5 =	sadd.s32 s6, s19  }
0x9e: {  	s9 =	simm.s32 $0x0;
	s20 =	sshll.u32 s7, $0x1;
	s7 =	sadd.s32 s21, s5  }
0x9f: {  	[timem:s9], [sflag:s22] =	dma.local [hbm:s7], s20  }
0xa0: {  	_ =	swait.ge [sflag:s22], s20  }
0xa1: {  	s6 =	ssub.s32 $0x0, s20;
	[sflag:s22] =	ssyncset.done $0x0  }
0xa2: {  	[sflag:s22] =	ssyncadd.s32 s6;
	_ =	sdelay $0x1  }
0xa3: {  	s23 =	simm.s32 $0x1B8B  }
0xa4: {  	_ =	swait.ge [sflag:s23], $0x1  }
0xa5: {  	[sflag:s23] =	ssyncset.done $0x0  }
0xa6: {  	s25 =	simm.s32 $0x1B8E;
	s24 =	sld [smem:$0x3FFE];
	[sflag:s23] =	ssyncadd.s32 $0xFFFFFFFF  }
0xa7: {  	s26 =	simm.s32 $execute0_lowered;
	[smem:$0x3FD2] =	sst s25  }
0xa8: {  	s7 =	sshll.u32 s26, $0x1;
	_ =	strace $0x80000046;
	[dreg:$0x1] =	wrdreg $0xFFFFFFFF  }
0xa9: {  	s28 =	simm.s32 $_size_execute0_lowered;
	s5 =	sadd.s32 s5, s7;
	[dreg:$0x0] =	wrdreg $0x0  }
0xaa: {  	s7 =	sshll.u32 s28, $0x1;
	[dreg:$0x2] =	wrdreg s5  }
0xab: {  	[dreg:$0x3] =	wrdreg s7  }
0xac: {  	[dreg:$0x4] =	wrdreg $0xC0  }
0xad: {  	_ =	task [dreg:s9], $0x5FFFF  }
0xae: {  	[dreg:$0x1] =	wrdreg $0xFFFFFFFF  }
0xaf: {  	[dreg:$0x0] =	wrdreg $0x60  }
0xb0: {  	[dreg:$0x2] =	wrdreg s18  }
0xb1: {  	[dreg:$0x3] =	wrdreg s2  }
0xb2: {  	[dreg:$0x4] =	wrdreg s4  }
0xb3: {  	[dreg:$0x5] =	wrdreg s24  }
0xb4: {  	[dreg:$0x6] =	wrdreg $0xE0800  }
0xb5: {  	[dreg:$0x7] =	wrdreg $0x9  }
0xb6: {  	_ =	task.clear_ibuf [dreg:s9], $0x8FFFF;
	_ =	strace $0x90000046  }
0xb7: {  	s29 =	simm.s32 $0x9;
	_ =	strace $0x80000048  }
0xb8: {  	_ =	swait.ge [sflag:s29], $0x1  }
0xb9: {  	[sflag:s29] =	ssyncadd.s32 $0xFFFFFFFF  }
0xba: {  	_ =	strace $0x90000048  }
0xbb: {  	_ =	sfence  }
0xbc: {  	s30 =	sld [smem:$0x0];
	_ =	sdelay $0x2  }
0xbd: {  	s31 =	sshll.u32 s1, $0xD;
	s1 =	sshrl.u32 s1, $0x2  }
0xbe: {  	s3 =	sand.u32 $0x4000, s31;
	s1 =	sadd.s32 s1, s30  }
0xbf: {  	s0 =	sor.u32 s3, s0;
	s1 =	sshll.u32 s1, $0x11  }
0xc0: {  	s0 =	sor.u32 s1, s0  }
0xc1: {  	s0 =	sadd.s32 $0x8F2B, s0  }
0xc2: {  	[sflag:s0] =	ssyncadd.remote.s32 $0x1  }
0xc3: {  	_ =	sfence.sel $0xFFFF  }
0xc4: {  	[dreg:$0x0] =	wrdreg $0xFFFFFFFF;
	(pc) =	sbr.abs _section_cstart, $3  }
0xc5: {  	[dreg:$0x1] =	wrdreg $0xFFFFFFFF  }
0xc6: {  	_ =	task.clear_ibuf [dreg:s9], $0x2FFFF;
	_ =	strace $0x9FFFFFFF  }
0xc7: {  	(tm) =	ssettm $0x7FFFFFFF  }
tec
execute0_lowered:
.L_overlay_start_1:
0x0: {  	(tag) =	ssettag $0x1  }
0x1: {  	s0 =	rddreg [dreg:$0x0]  }
0x2: {  	s2 =	rddreg [dreg:$0x1]  }
0x3: {  	s11 =	rddreg [dreg:$0x2]  }
0x4: {  	s7 =	rddreg [dreg:$0x3]  }
0x5: {  	s4 =	rddreg [dreg:$0x4];
	s5 =	srdreg.scid  }
0x6: {  	s3 =	stileid.u32;
	s1 =	rddreg [dreg:$0x5]  }
0x7: {  	s16 =	simm.s32 $0x1900;
	s17 =	simm.s32 $0x9600;
	s18 =	simm.s32 $0x4  }
0x8: {  	s19 =	simm.s32 $0x2;
	s20 =	simm.s32 $0xAF00;
	s21 =	simm.s32 $0x7D00  }
0x9: {  	s22 =	simm.s32 $0x0;
	s10 =	sand.u32 $0x1, s5;
	s6 =	sshll.u32 s3, $0x1  }
0xa: {  	s5 =	simm.s32 $0x0;
	s12 =	smul.u32 $0x1880, s3;
	s6 =	sor.u32 s10, s6  }
0xb: {  	s15 =	sadd.s32 $0x3800, s7;
	[smem:$0x7FF] =	sst s5;
	s9 =	smul.u32 $0x640, s6  }
0xc: {  	s8 =	ssub.s32 $0x2, s10;
	p0 =	seq.s32 s10, $0x1;
	s14 =	smul.u32 $0x320, s6  }
.Ltmp0:
0xd: {  	_ =	strace $0x80000047;
	s13 =	sshrl.u32 s8, $0x1;
	(pc) =	sbr.rel .LBB2_1-.Ltmp0, $4  }
0xe: {  	s7 =	sadd.s32 s12, s4;
	s12 =	sshrl.u32 s12, $0x3;
	s11 =	smov.u32 @p0 s15  }
0xf: {  	s15 =	simm.s32 $0x1;
	s13 =	ssub.s32 s8, s13;
	s11 =	sadd.s32 s11, s12  }
0x10: {  	s12 =	simm.s32 $0xC800;
	s8 =	sadd.s32 s0, s9;
	s9 =	sadd.s32 s2, s14  }
0x11: {  	v0 =	vimm.f32 $0.0e+00;
	s10 =	smax.u32 s13, $0x1;
	s13 =	simm.s32 $0x3;
	s14 =	simm.s32 $0x3200  }
.LBB2_13:
0x12: {  	[bflag:$0x0] =	sbarrier.arrive $0xFFFF  }
0x13: {  	[tilespmem:s12], [sflag:$0x3] =	stream.linear.gather [spmem:s7], $0x1880, $0x38;
	[tilespmem:$0xF900] =	vst v63  }
0x14: {  	s22 =	sadd.s32 $0x1, s22;
	_ =	swait.ge [sflag:s13], $0x1880  }
0x15: {  	p0 =	sne.s32 s22, s10;
	[sflag:s13] =	ssyncset.done $0x0  }
.Ltmp1:
0x16: {  	[sflag:s13] =	ssyncadd.s32 $0xFFFFE780;
	(pc) =	sbr.rel @!p0 .LBB2_14-.Ltmp1, $4  }
0x17: {  	[hbm4b:s11+s5] =	stream.linear.scatter [tilespmem:s12], [sflag:$0x3], $0x1880, $0x38;
	[tilespmem:$0xF900] =	vst v63  }
0x18: {  	_ =	swait.ge [sflag:s13], $0x1880  }
0x19: {  	[sflag:s13] =	ssyncset.done $0x0  }
0x1a: {  	[sflag:s13] =	ssyncadd.s32 $0xFFFFE780  }
.LBB2_1:
0x1b: {  	s23 =	simm.s32 $0x40;
	s24 =	simm.s32 $0x0  }
.LBB2_2:
0x1c: {  	p0 =	sne.s32 s23, $0x61C0;
	[tilespmem:s24+$0xC800] =	vst v0;
	s24 =	smov.u32 s23;
	s23 =	sadd.s32 $0x40, s23  }
.Ltmp2:
0x1d: {  	(pc) =	sbr.rel @p0 .LBB2_2-.Ltmp2, $2  }
0x1e: {  	_ =	sdelay $0x2  }
0x1f: {  	s24 =	sshra.s32 s24, $0x2  }
0x20: {  	[tilespmem:s24+$0xC800] =	vst v0  }
0x21: {  	[spmem:s7] =	stream.linear.scatter [tilespmem:s12], [sflag:$0x3], $0x1880, $0x38;
	[tilespmem:$0xF900] =	vst v63  }
0x22: {  	_ =	swait.ge [sflag:s13], $0x1880  }
0x23: {  	[sflag:s13] =	ssyncset.done $0x0  }
.Ltmp3:
0x24: {  	[sflag:s13] =	ssyncadd.s32 $0xFFFFE780;
	(pc) =	sbr.rel .LBB2_4-.Ltmp3, $4  }
0x25: {  	s23 =	simm.s32 $0x0;
	[bflag:$0x0] =	sbarrier.arrive $0xFFFF  }
0x26: {  	[tilespmem:s23], [sflag:$0x1] =	stream.linear.gather [hbm4b:s8+s23], $0x3200, $0x38;
	[tilespmem:$0xF900] =	vst v63  }
0x27: {  	_ = 	snop  }
0x28: {  	[tilespmem:s14], [sflag:$0x1] =	stream.linear.gather [hbm4b:s9+s23], $0x1900, $0x38;
	[tilespmem:$0xF900] =	vst v63  }
.LBB2_12:
0x29: {  	s23 =	sadd.s32 $0x1, s23  }
0x2a: {  	p0 =	sne.s32 s23, $0x10  }
.Ltmp4:
0x2b: {  	_ = 	snop;
	(pc) =	sbr.rel @!p0 .LBB2_13-.Ltmp4, $1  }
0x2c: {  	_ =	sdelay $0x3  }
.LBB2_4:
0x2d: {  	s24 =	sshll.u32 s23, $0x6  }
0x2e: {  	s24 =	sor.u32 s6, s24  }
0x2f: {  	s25 =	sor.u32 $0x20, s24  }
0x30: {  	p0 =	sgt.u32 s25, $0x3E7  }
0x31: {  	s26 =	smul.u32 @!p0 $0x640, s25  }
0x32: {  	s28 =	simm.s32 @!p0 $0x0  }
0x33: {  	s29 =	simm.s32 @!p0 $0x4B00;
	s25 =	smul.u32 @!p0 $0x320, s25;
	s26 =	sadd.s32 @!p0 s0, s26  }
0x34: {  	[tilespmem:s29], [sflag:$0x2] =	stream.linear.gather @!p0 [hbm4b:s26+s28], $0x3200, $0x38;
	[tilespmem:$0xF900] =	vst v63  }
0x35: {  	s25 =	sadd.s32 @!p0 s2, s25;
	s26 =	simm.s32 @!p0 $0x7D00  }
0x36: {  	[tilespmem:s26], [sflag:$0x2] =	stream.linear.gather @!p0 [hbm4b:s25+s28], $0x1900, $0x38;
	[tilespmem:$0xF900] =	vst v63  }
0x37: {  	_ =	swait.ge [sflag:s15], $0x3200  }
0x38: {  	[sflag:s15] =	ssyncset.done $0x0  }
0x39: {  	[sflag:s15] =	ssyncadd.s32 $0xFFFFCE00  }
0x3a: {  	_ =	swait.ge [sflag:s15], $0x1900  }
0x3b: {  	[sflag:s15] =	ssyncset.done $0x0  }
0x3c: {  	s26 =	simm.s32 $0xF0;
	[sflag:s15] =	ssyncadd.s32 $0xFFFFE700  }
0x3d: {  	s29 =	simm.s32 $0x0;
	s25 =	sadd.s32 $0x40, s24;
	s28 =	simm.s32 $0x200;
	v1 =	vld [tilespmem:s26+$0xFFFFFF90]  }
.LBB2_5:
0x3e: {  	p1 =	sne.s32 s28, $0x6200;
	_ =	sdelay $0x2  }
0x3f: {  	s30 =	sshra.s32 s29, $0x2;
	s29 =	smov.u32 s28  }
0x40: {  	[tilespmem:s30+$0x9600] =	vst v1  }
0x41: {  	v1 =	vld [tilespmem:s26+$0xFFFFFFA0];
	_ =	sdelay $0x4  }
0x42: {  	[tilespmem:s30+$0x9610] =	vst v1  }
0x43: {  	v1 =	vld [tilespmem:s26+$0xFFFFFFB0];
	_ =	sdelay $0x4  }
0x44: {  	[tilespmem:s30+$0x9620] =	vst v1  }
0x45: {  	v1 =	vld [tilespmem:s26+$0xFFFFFFC0];
	_ =	sdelay $0x4  }
0x46: {  	[tilespmem:s30+$0x9630] =	vst v1  }
0x47: {  	v1 =	vld [tilespmem:s26+$0xFFFFFFD0];
	_ =	sdelay $0x4  }
0x48: {  	[tilespmem:s30+$0x9640] =	vst v1  }
0x49: {  	v1 =	vld [tilespmem:s26+$0xFFFFFFE0];
	_ =	sdelay $0x4  }
0x4a: {  	[tilespmem:s30+$0x9650] =	vst v1  }
0x4b: {  	v1 =	vld [tilespmem:s26+$0xFFFFFFF0];
	_ =	sdelay $0x4  }
0x4c: {  	[tilespmem:s30+$0x9660] =	vst v1  }
0x4d: {  	v1 =	vld [tilespmem:s26+$0x0];
	_ =	sdelay $0x1  }
.Ltmp5:
0x4e: {  	(pc) =	sbr.rel @p1 .LBB2_5-.Ltmp5, $3  }
0x4f: {  	_ =	sdelay $0x1  }
0x50: {  	s26 =	sadd.s32 $0x100, s26;
	[tilespmem:s30+$0x9670] =	vst v1  }
0x51: {  	s28 =	sadd.s32 $0x200, s28;
	v1 =	vld [tilespmem:s26+$0xFFFFFF90]  }
0x52: {  	_ =	sdelay $0x2  }
0x53: {  	s28 =	sshra.s32 s29, $0x2  }
0x54: {  	[tilespmem:s28+$0x9600] =	vst v1  }
0x55: {  	v1 =	vld [tilespmem:s26+$0xFFFFFFA0];
	_ =	sdelay $0x4  }
0x56: {  	[tilespmem:s28+$0x9610] =	vst v1  }
0x57: {  	v1 =	vld [tilespmem:s26+$0xFFFFFFB0];
	_ =	sdelay $0x4  }
0x58: {  	[tilespmem:s28+$0x9620] =	vst v1  }
0x59: {  	v1 =	vld [tilespmem:s26+$0xFFFFFFC0];
	_ =	sdelay $0x4  }
0x5a: {  	[tilespmem:s28+$0x9630] =	vst v1  }
0x5b: {  	v1 =	vld [tilespmem:s26+$0xFFFFFFD0];
	_ =	sdelay $0x4  }
0x5c: {  	[tilespmem:s28+$0x9640] =	vst v1  }
0x5d: {  	v1 =	vld [tilespmem:s26+$0xFFFFFFE0];
	_ =	sdelay $0x4  }
0x5e: {  	[tilespmem:s28+$0x9650] =	vst v1  }
0x5f: {  	v1 =	vld [tilespmem:s26+$0xFFFFFFF0];
	_ =	sdelay $0x4  }
0x60: {  	[tilespmem:s28+$0x9660] =	vst v1  }
0x61: {  	v1 =	vld [tilespmem:s26+$0x0];
	_ =	sdelay $0x3  }
0x62: {  	p1 =	sgt.u32 s24, $0x3A7  }
.Ltmp6:
0x63: {  	[tilespmem:s28+$0x9670] =	vst v1;
	(pc) =	sbr.rel @p1 .LBB2_8-.Ltmp6, $4  }
0x64: {  	[spmem:s4] =	stream.indirect.scatter.add.f32 [tilespmem:s14], [sflag:$0x4], $0x1, s17, s16, $0xb8;
	[tilespmem:$0xF900] =	vst v63  }
0x65: {  	_ =	swait.ge [sflag:s18], $0x1900  }
0x66: {  	[sflag:s18] =	ssyncset.done $0x0  }
0x67: {  	[sflag:s18] =	ssyncadd.s32 $0xFFFFE700  }
0x68: {  	s24 =	smul.u32 $0x640, s25  }
.Ltmp7:
0x69: {  	_ = 	snop;
	(pc) =	sbr.rel .LBB2_9-.Ltmp7, $4  }
0x6a: {  	s30 =	smul.u32 $0x320, s25;
	s24 =	sadd.s32 s0, s24  }
0x6b: {  	[tilespmem:s5], [sflag:$0x1] =	stream.linear.gather [hbm4b:s24+s5], $0x3200, $0x38;
	[tilespmem:$0xF900] =	vst v63  }
0x6c: {  	s31 =	sadd.s32 s2, s30  }
0x6d: {  	[tilespmem:s14], [sflag:$0x1] =	stream.linear.gather [hbm4b:s31+s5], $0x1900, $0x38;
	[tilespmem:$0xF900] =	vst v63  }
.LBB2_8:
.Ltmp8:
0x6e: {  	(pc) =	sbr.rel @p0 .LBB2_12-.Ltmp8, $1  }
0x6f: {  	_ =	sdelay $0x3  }
.LBB2_9:
0x70: {  	_ =	swait.ge [sflag:s19], $0x3200  }
0x71: {  	[sflag:s19] =	ssyncset.done $0x0  }
0x72: {  	[sflag:s19] =	ssyncadd.s32 $0xFFFFCE00  }
0x73: {  	_ =	swait.ge [sflag:s19], $0x1900  }
0x74: {  	[sflag:s19] =	ssyncset.done $0x0  }
0x75: {  	s24 =	simm.s32 $0x4BF0;
	[sflag:s19] =	ssyncadd.s32 $0xFFFFE700  }
0x76: {  	s25 =	simm.s32 $0x0;
	s26 =	simm.s32 $0x200;
	v1 =	vld [tilespmem:s24+$0xFFFFFF90]  }
.LBB2_10:
0x77: {  	p0 =	sne.s32 s26, $0x6200;
	_ =	sdelay $0x2  }
0x78: {  	s28 =	sshra.s32 s25, $0x2;
	s25 =	smov.u32 s26  }
0x79: {  	[tilespmem:s28+$0xAF00] =	vst v1  }
0x7a: {  	v1 =	vld [tilespmem:s24+$0xFFFFFFA0];
	_ =	sdelay $0x4  }
0x7b: {  	[tilespmem:s28+$0xAF10] =	vst v1  }
0x7c: {  	v1 =	vld [tilespmem:s24+$0xFFFFFFB0];
	_ =	sdelay $0x4  }
0x7d: {  	[tilespmem:s28+$0xAF20] =	vst v1  }
0x7e: {  	v1 =	vld [tilespmem:s24+$0xFFFFFFC0];
	_ =	sdelay $0x4  }
0x7f: {  	[tilespmem:s28+$0xAF30] =	vst v1  }
0x80: {  	v1 =	vld [tilespmem:s24+$0xFFFFFFD0];
	_ =	sdelay $0x4  }
0x81: {  	[tilespmem:s28+$0xAF40] =	vst v1  }
0x82: {  	v1 =	vld [tilespmem:s24+$0xFFFFFFE0];
	_ =	sdelay $0x4  }
0x83: {  	[tilespmem:s28+$0xAF50] =	vst v1  }
0x84: {  	v1 =	vld [tilespmem:s24+$0xFFFFFFF0];
	_ =	sdelay $0x4  }
0x85: {  	[tilespmem:s28+$0xAF60] =	vst v1  }
0x86: {  	v1 =	vld [tilespmem:s24+$0x0];
	_ =	sdelay $0x1  }
.Ltmp9:
0x87: {  	(pc) =	sbr.rel @p0 .LBB2_10-.Ltmp9, $3  }
0x88: {  	_ =	sdelay $0x1  }
0x89: {  	s24 =	sadd.s32 $0x100, s24;
	[tilespmem:s28+$0xAF70] =	vst v1  }
0x8a: {  	s26 =	sadd.s32 $0x200, s26;
	v1 =	vld [tilespmem:s24+$0xFFFFFF90]  }
0x8b: {  	_ =	sdelay $0x2  }
0x8c: {  	s25 =	sshra.s32 s25, $0x2  }
0x8d: {  	[tilespmem:s25+$0xAF00] =	vst v1  }
0x8e: {  	v1 =	vld [tilespmem:s24+$0xFFFFFFA0];
	_ =	sdelay $0x4  }
0x8f: {  	[tilespmem:s25+$0xAF10] =	vst v1  }
0x90: {  	v1 =	vld [tilespmem:s24+$0xFFFFFFB0];
	_ =	sdelay $0x4  }
0x91: {  	[tilespmem:s25+$0xAF20] =	vst v1  }
0x92: {  	v1 =	vld [tilespmem:s24+$0xFFFFFFC0];
	_ =	sdelay $0x4  }
0x93: {  	[tilespmem:s25+$0xAF30] =	vst v1  }
0x94: {  	v1 =	vld [tilespmem:s24+$0xFFFFFFD0];
	_ =	sdelay $0x4  }
0x95: {  	[tilespmem:s25+$0xAF40] =	vst v1  }
0x96: {  	v1 =	vld [tilespmem:s24+$0xFFFFFFE0];
	_ =	sdelay $0x4  }
0x97: {  	[tilespmem:s25+$0xAF50] =	vst v1  }
0x98: {  	v1 =	vld [tilespmem:s24+$0xFFFFFFF0];
	_ =	sdelay $0x4  }
0x99: {  	[tilespmem:s25+$0xAF60] =	vst v1  }
0x9a: {  	v1 =	vld [tilespmem:s24+$0x0];
	_ =	sdelay $0x4  }
.Ltmp10:
0x9b: {  	[tilespmem:s25+$0xAF70] =	vst v1;
	(pc) =	sbr.rel .LBB2_12-.Ltmp10, $4  }
0x9c: {  	[spmem:s4] =	stream.indirect.scatter.add.f32 [tilespmem:s21], [sflag:$0x3], $0x1, s20, s16, $0xb8;
	[tilespmem:$0xF900] =	vst v63  }
0x9d: {  	_ =	swait.ge [sflag:s13], $0x1900  }
0x9e: {  	[sflag:s13] =	ssyncset.done $0x0  }
0x9f: {  	[sflag:s13] =	ssyncadd.s32 $0xFFFFE700  }
.LBB2_14:
0xa0: {  	_ =	sfence.sel $0x180000  }
0xa1: {  	[bflag:$0x0] =	sbarrier.arrive $0xFFFF  }
0xa2: {  	p0 =	sne.s32 s3, $0x0;
	_ =	strace $0x90000047  }
0xa3: {  	s0 =	sadd.s32 @!p0 $0x100000, s1;
	[bflag:$0x2] =	sbarrier.arrive $0xFFFF  }
0xa4: {  	[sflag:s0] =	ssyncadd.tile.s32 @!p0 $0x1;
	_ =	shalt  }
.Lfunc_end2:
_tile_overlayer_lowered:
.L_overlay_start_2:
0xa5: {  	(tag) =	ssettag $0x2  }
0xa6: {  	s0 =	rddreg [dreg:$0x0];
	s2 =	stileid.u32  }
0xa7: {  	s1 =	rddreg [dreg:$0x1];
	p0 =	sne.s32 s2, $0x0  }
0xa8: {  	s3 =	rddreg [dreg:$0x2];
	[bflag:$0x3] =	sbarrier.arrive $0xFFFF;
	s2 =	simm.s32 @!p0 $0x1C03  }
0xa9: {  	[timem:s3], [sflag:s2] =	dma.local @!p0 [hbm:s0], s1  }
0xaa: {  	s0 =	simm.s32 @!p0 $0x3  }
0xab: {  	_ =	swait.ge @!p0 [sflag:s0], s1  }
0xac: {  	s1 =	ssub.s32 @!p0 $0x0, s1;
	[sflag:s0] =	ssyncset.done @!p0 $0x0  }
0xad: {  	[sflag:s0] =	ssyncadd.s32 @!p0 s1  }
0xae: {  	[bflag:$0x3] =	sbarrier.arrive $0xFFFF  }
0xaf: {  	_ =	shalt  }

</sc_bundles>
